<compile_context>
chip_gen: v7x
topology: tpu7x:2x2x1
jax: 0.10.2.dev20260603
libtpu: 0.0.44.dev20260713+nightly
codegen_flags: <defaults>
</compile_context>

<pallas_src>
import jax
import jax.numpy as jnp
from jax import lax
from jax.experimental import pallas as pl
from jax.experimental.pallas import tpu as pltpu
from jax.experimental.pallas import tpu_sc as plsc

_BETA = 0.2
_BM = 128
_NB = 96
_ROWS_PAD = _NB * _BM

_SC = plsc.get_sparse_core_info()
_NW = _SC.num_cores * _SC.num_subcores


def _router_body(hs_ref, gw_ref, logits_ref, meta_ref, counts_ref, carry_ref):
    i = pl.program_id(0)

    @pl.when(i == 0)
    def _():
        carry_ref[...] = jnp.zeros_like(carry_ref)

    x = hs_ref[...]
    logits = jax.lax.dot_general(
        x, gw_ref[...], (((1,), (1,)), ((), ())),
        preferred_element_type=jnp.float32)
    logits_ref[...] = logits

    mx = jnp.max(logits, axis=1, keepdims=True)
    ex = jnp.exp(logits - mx)
    p = ex / jnp.sum(ex, axis=1, keepdims=True)

    bm, e = p.shape
    idx = jax.lax.broadcasted_iota(jnp.int32, (bm, e), 1)
    p1 = jnp.max(p, axis=1, keepdims=True)
    e0 = jnp.min(jnp.where(p == p1, idx, e), axis=1, keepdims=True)
    pm = jnp.where(idx == e0, -jnp.inf, p)
    p2 = jnp.max(pm, axis=1, keepdims=True)
    e1 = jnp.min(jnp.where(pm == p2, idx, e), axis=1, keepdims=True)

    skip = p2 < _BETA * p1
    denom = p1 + jnp.where(skip, 0.0, p2)
    w0 = p1 / denom
    w1 = jnp.where(skip, 0.0, p2 / denom)

    oh0 = (idx == e0).astype(jnp.float32)
    oh1 = (idx == e1).astype(jnp.float32)
    ohall = oh0 + oh1
    ri = jax.lax.broadcasted_iota(jnp.int32, (bm, bm), 0)
    ci = jax.lax.broadcasted_iota(jnp.int32, (bm, bm), 1)
    tri = (ri > ci).astype(jnp.float32)
    csum_excl = jax.lax.dot_general(tri, ohall, (((1,), (0,)), ((), ())),
                                    preferred_element_type=jnp.float32)
    tot = carry_ref[0:1, :] + csum_excl
    rank0 = jnp.sum(tot * oh0, axis=1, keepdims=True)
    rank1 = jnp.sum(tot * oh1, axis=1, keepdims=True)
    newc = carry_ref[0:1, :] + jnp.sum(ohall, axis=0, keepdims=True)
    carry_ref[0:1, :] = newc
    counts_ref[0:1, :] = newc

    col = jax.lax.broadcasted_iota(jnp.int32, (bm, meta_ref.shape[1]), 1)
    meta = (w0 * (col == 0) + w1 * (col == 1)
            + e0.astype(jnp.float32) * (col == 2)
            + e1.astype(jnp.float32) * (col == 3)
            + rank0 * (col == 4) + rank1 * (col == 5))
    meta_ref[...] = meta


def _ffn_body(g_ref, bs_ref, v_ref, x_ref, w1_ref, w3_ref, w2_ref, out_ref):
    @pl.when(v_ref[pl.program_id(0)] == 1)
    def _():
        x = x_ref[...]
        a = jax.lax.dot_general(x, w1_ref[0], (((1,), (1,)), ((), ())),
                                preferred_element_type=jnp.float32)
        b = jax.lax.dot_general(x, w3_ref[0], (((1,), (1,)), ((), ())),
                                preferred_element_type=jnp.float32)
        h = (a * jax.nn.sigmoid(a)) * b
        out_ref[...] = jax.lax.dot_general(
            h, w2_ref[0], (((1,), (1,)), ((), ())),
            preferred_element_type=jnp.float32)


def _dispatch_body(hs_ref, pp_ref, x_pad_ref, idx0_v, idx1_v, rows_v, sem):
    wid = lax.axis_index("s") * _SC.num_cores + lax.axis_index("c")
    tw = rows_v.shape[0]
    base = wid * tw
    pltpu.sync_copy(pp_ref.at[2 * wid], idx0_v)
    pltpu.sync_copy(pp_ref.at[2 * wid + 1], idx1_v)
    pltpu.sync_copy(hs_ref.at[pl.ds(base, tw)], rows_v)
    c0 = pltpu.async_copy(rows_v, x_pad_ref.at[idx0_v], sem)
    c1 = pltpu.async_copy(rows_v, x_pad_ref.at[idx1_v], sem)
    c0.wait()
    c1.wait()


def _gather_body(out_pad_ref, pp_ref, gcat_ref, idx0_v, idx1_v, buf_v, sem):
    wid = lax.axis_index("s") * _SC.num_cores + lax.axis_index("c")
    tc = buf_v.shape[1]
    tw = 2 * tc
    n_tok = gcat_ref.shape[0] // 2
    base = wid * tw
    pltpu.sync_copy(pp_ref.at[2 * wid], idx0_v)
    pltpu.sync_copy(pp_ref.at[2 * wid + 1], idx1_v)
    idxs = (idx0_v, idx1_v)
    chunks = [(s, h) for s in range(2) for h in range(2)]

    def _gather(k):
        s, h = chunks[k]
        return pltpu.async_copy(
            out_pad_ref.at[idxs[s].at[pl.ds(h * tc, tc)]],
            buf_v.at[k % 2], sem)

    cur = _gather(0)
    for k in range(4):
        s, h = chunks[k]
        cur.wait()
        nxt = _gather(k + 1) if k < 3 else None
        pltpu.sync_copy(buf_v.at[k % 2],
                        gcat_ref.at[pl.ds(s * n_tok + base + h * tc, tc)])
        cur = nxt


def _combine_body(g0_ref, g1_ref, w_ref, f_ref):
    f_ref[...] = (g0_ref[...] * w_ref[:, 0:1] + g1_ref[...] * w_ref[:, 1:2])


def kernel(hidden_states, gate_w, w1, w3, w2):
    batch, seq, d = hidden_states.shape
    n_tok = batch * seq
    e_num = gate_w.shape[0]
    f = w1.shape[1]
    hs = hidden_states.reshape(n_tok, d)

    bm_r = 256
    logits, meta, counts_f = pl.pallas_call(
        _router_body,
        grid=(n_tok // bm_r,),
        in_specs=[
            pl.BlockSpec((bm_r, d), lambda i: (i, 0)),
            pl.BlockSpec((e_num, d), lambda i: (0, 0)),
        ],
        out_specs=[
            pl.BlockSpec((bm_r, e_num), lambda i: (i, 0)),
            pl.BlockSpec((bm_r, 128), lambda i: (i, 0)),
            pl.BlockSpec((8, e_num), lambda i: (0, 0)),
        ],
        out_shape=[
            jax.ShapeDtypeStruct((n_tok, e_num), jnp.float32),
            jax.ShapeDtypeStruct((n_tok, 128), jnp.float32),
            jax.ShapeDtypeStruct((8, e_num), jnp.float32),
        ],
        scratch_shapes=[pltpu.VMEM((8, e_num), jnp.float32)],
    )(hs, gate_w)

    w01 = meta[:, :2]
    e_all = meta[:, 2:4].astype(jnp.int32).reshape(2 * n_tok)

    n_asg = 2 * n_tok
    rank = meta[:, 4:6].astype(jnp.int32).reshape(n_asg)
    counts = counts_f[0].astype(jnp.int32)

    blocks_per = (counts + _BM - 1) // _BM
    total_blocks = jnp.sum(blocks_per)
    pstart = (jnp.cumsum(blocks_per) - blocks_per) * _BM

    g_map = jnp.repeat(jnp.arange(e_num, dtype=jnp.int32), blocks_per,
                       total_repeat_length=_NB)
    bidx = jnp.arange(_NB, dtype=jnp.int32)
    bs_map = jnp.minimum(bidx, total_blocks - 1)
    v_map = (bidx < total_blocks).astype(jnp.int32)

    pp = pstart[e_all] + rank
    tw = n_tok // _NW
    pp_rows = (pp.reshape(_NW, tw, 2).transpose(0, 2, 1)
               .reshape(2 * _NW, tw))

    mesh = plsc.VectorSubcoreMesh(core_axis_name="c", subcore_axis_name="s")
    x_pad = pl.kernel(
        _dispatch_body,
        out_type=jax.ShapeDtypeStruct((_ROWS_PAD, d), jnp.float32),
        mesh=mesh,
        scratch_types=[
            pltpu.VMEM((tw,), jnp.int32),
            pltpu.VMEM((tw,), jnp.int32),
            pltpu.VMEM((tw, d), jnp.float32),
            pltpu.SemaphoreType.DMA,
        ],
    )(hs, pp_rows)

    out_pad = pl.pallas_call(
        _ffn_body,
        grid_spec=pltpu.PrefetchScalarGridSpec(
            num_scalar_prefetch=3,
            grid=(_NB,),
            in_specs=[
                pl.BlockSpec((_BM, d), lambda i, g, bs, v: (bs[i], 0)),
                pl.BlockSpec((1, f, d), lambda i, g, bs, v: (g[i], 0, 0)),
                pl.BlockSpec((1, f, d), lambda i, g, bs, v: (g[i], 0, 0)),
                pl.BlockSpec((1, d, f), lambda i, g, bs, v: (g[i], 0, 0)),
            ],
            out_specs=pl.BlockSpec((_BM, d), lambda i, g, bs, v: (bs[i], 0)),
        ),
        out_shape=jax.ShapeDtypeStruct((_ROWS_PAD, d), jnp.float32),
    )(g_map, bs_map, v_map, x_pad, w1, w3, w2)

    gcat = pl.kernel(
        _gather_body,
        out_type=jax.ShapeDtypeStruct((2 * n_tok, d), jnp.float32),
        mesh=plsc.VectorSubcoreMesh(core_axis_name="c",
                                    subcore_axis_name="s"),
        scratch_types=[
            pltpu.VMEM((tw,), jnp.int32),
            pltpu.VMEM((tw,), jnp.int32),
            pltpu.VMEM((2, tw // 2, d), jnp.float32),
            pltpu.SemaphoreType.DMA,
        ],
    )(out_pad, pp_rows)

    final = pl.pallas_call(
        _combine_body,
        grid=(n_tok // bm_r,),
        in_specs=[
            pl.BlockSpec((bm_r, d), lambda i: (i, 0)),
            pl.BlockSpec((bm_r, d), lambda i: (i + n_tok // bm_r, 0)),
            pl.BlockSpec((bm_r, 2), lambda i: (i, 0)),
        ],
        out_specs=pl.BlockSpec((bm_r, d), lambda i: (i, 0)),
        out_shape=jax.ShapeDtypeStruct((n_tok, d), jnp.float32),
    )(gcat, gcat, w01)

    return final.reshape(batch, seq, d), logits

# --- scband reference (transcript-rebuilt; emitter-appended) ---
"""Pipeline reference for scband-dynamic-skipping-mixtral-sparse-moe-block-wrapper-5420248728297 (READ-ONLY COPY).

The authoritative reference and input builder live on the scoring server;
editing this copy changes nothing except your own understanding.
"""

import jax, jax.numpy as jnp
import numpy as np

BETA = 0.2
B, S, D, F, E = 1, 2048, 1024, 1024, 64

def setup_inputs(seed: int = 0) -> dict:
    key = jax.random.key(seed)
    ks = jax.random.split(key, 5)
    hidden_states = jax.random.normal(ks[0], (B, S, D), dtype=jnp.float32)
    gate_w = jax.random.normal(ks[1], (E, D), dtype=jnp.float32) * 0.02
    w1 = jax.random.normal(ks[2], (E, F, D), dtype=jnp.float32) * 0.02
    w3 = jax.random.normal(ks[3], (E, F, D), dtype=jnp.float32) * 0.02
    w2 = jax.random.normal(ks[4], (E, D, F), dtype=jnp.float32) * 0.02
    return {"hidden_states": hidden_states, "gate_w": gate_w, "w1": w1, "w3": w3, "w2": w2}

def reference(hidden_states, gate_w, w1, w3, w2):
    batch_size, seq_len, hidden_dim = hidden_states.shape
    hs = hidden_states.reshape(-1, hidden_dim)
    router_logits = hs @ gate_w.T
    routing_weights = jax.nn.softmax(router_logits.astype(jnp.float32), axis=1)
    rw_top, selected_experts = jax.lax.top_k(routing_weights, 2)
    mask_top1 = rw_top[:, 1] < BETA * rw_top[:, 0]
    rw_top = rw_top.at[:, 1].set(jnp.where(mask_top1, 0.0, rw_top[:, 1]))
    rw_top = rw_top / rw_top.sum(axis=-1, keepdims=True)
    rw_top = rw_top.astype(hs.dtype)
    final = jnp.zeros((batch_size * seq_len, hidden_dim), dtype=hs.dtype)
    valid = jnp.stack([jnp.ones(selected_experts.shape[0], dtype=bool), ~mask_top1], axis=1)
    num_experts = gate_w.shape[0]

    def body(final_carry, expert_in):
        w1_e, w3_e, w2_e, e = expert_in
        m = (selected_experts == e) & valid
        w = jnp.where(m, rw_top, 0.0).sum(axis=1, keepdims=True)
        x = hs
        h = jax.nn.silu(x @ w1_e.T) * (x @ w3_e.T)
        out = (h @ w2_e.T) * w
        return final_carry + out, None

    expert_ids = jnp.arange(num_experts, dtype=selected_experts.dtype)
    final, _ = jax.lax.scan(body, final, (w1, w3, w2, expert_ids))
    final = final.reshape(batch_size, seq_len, hidden_dim)
    return (final, router_logits)

if __name__ == "__main__":
    import jax
    _d = setup_inputs()
    print(jax.jit(kernel)(*tuple(_d.values())))

</pallas_src>

<mosaic_0001>
#map = affine_map<(d0, d1) -> (0, 0)>
module attributes {stable_mosaic.version = 14 : i64} {
  func.func @_dispatch_body(%arg0: i32, %arg1: i32, %arg2: memref<2048x1024xf32, #tpu.memory_space<hbm>>, %arg3: memref<64x64xi32, #tpu.memory_space<hbm>>, %arg4: memref<12288x1024xf32, #tpu.memory_space<hbm>>, %arg5: memref<64xi32, #tpu.memory_space<vmem>>, %arg6: memref<64xi32, #tpu.memory_space<vmem>>, %arg7: memref<64x1024xf32, #tpu.memory_space<vmem>>, %arg8: memref<!tpu.dma_semaphore, #tpu.memory_space<semaphore_mem>>) attributes {dimension_semantics = [#tpu.dimension_semantics<core_parallel>, #tpu.dimension_semantics<subcore_parallel>], iteration_bounds = array<i64: 2, 16>, scalar_prefetch = 0 : i64, scratch_operands = 4 : i64, tpu.core_type = #tpu.core_type<sc_vector_subcore>, window_params = [{transform_indices = #map}, {transform_indices = #map}, {transform_indices = #map}]} {
    %mul3A = arith.constant 2 : i32
    %mul3A_0 = arith.muli %arg1, %mul3A : i32
    %add3A = arith.addi %mul3A_0, %arg0 : i32
    %mul3A_1 = arith.constant 64 : i32
    %mul3A_2 = arith.muli %add3A, %mul3A_1 : i32
    %mul3A_3 = arith.constant 2 : i32
    %mul3A_4 = arith.muli %mul3A_3, %add3A : i32
    "tpu.region"() ({
      %run_scoped3A = tpu.sem_alloc : memref<!tpu.dma_semaphore, #tpu.memory_space<semaphore_mem>>
      %dma_start3A_19 = arith.constant 0 : i32
      %dma_start3A_20 = tpu.memref_slice %arg3[%mul3A_4, %dma_start3A_19] : memref<64x64xi32, #tpu.memory_space<hbm>> -> memref<1x64xi32, #tpu.memory_space<hbm>>
      %dma_start3A_21 = tpu.memref_squeeze %dma_start3A_20 : memref<1x64xi32, #tpu.memory_space<hbm>> -> memref<64xi32, #tpu.memory_space<hbm>>
      %dma_start3A_22 = arith.constant 0 : i32
      %dma_start3A_23 = tpu.memref_slice %arg3[%mul3A_4, %dma_start3A_22] : memref<64x64xi32, #tpu.memory_space<hbm>> -> memref<1x64xi32, #tpu.memory_space<hbm>>
      %dma_start3A_24 = tpu.memref_squeeze %dma_start3A_23 : memref<1x64xi32, #tpu.memory_space<hbm>> -> memref<64xi32, #tpu.memory_space<hbm>>
      tpu.enqueue_dma source(%dma_start3A_24 : memref<64xi32, #tpu.memory_space<hbm>>) target(%arg5 : memref<64xi32, #tpu.memory_space<vmem>>) target_semaphore(%run_scoped3A : memref<!tpu.dma_semaphore, #tpu.memory_space<semaphore_mem>>)
      %dma_wait3A_25 = arith.constant 0 : i32
      %dma_wait3A_26 = tpu.memref_slice %arg3[%mul3A_4, %dma_wait3A_25] : memref<64x64xi32, #tpu.memory_space<hbm>> -> memref<1x64xi32, #tpu.memory_space<hbm>>
      %dma_wait3A_27 = tpu.memref_squeeze %dma_wait3A_26 : memref<1x64xi32, #tpu.memory_space<hbm>> -> memref<64xi32, #tpu.memory_space<hbm>>
      %dma_wait3A_28 = arith.constant 0 : i32
      %dma_wait3A_29 = tpu.memref_slice %arg3[%mul3A_4, %dma_wait3A_28] : memref<64x64xi32, #tpu.memory_space<hbm>> -> memref<1x64xi32, #tpu.memory_space<hbm>>
      %dma_wait3A_30 = tpu.memref_squeeze %dma_wait3A_29 : memref<1x64xi32, #tpu.memory_space<hbm>> -> memref<64xi32, #tpu.memory_space<hbm>>
      tpu.wait_dma2 semaphore(%run_scoped3A : memref<!tpu.dma_semaphore, #tpu.memory_space<semaphore_mem>>) src(%dma_wait3A_30 : memref<64xi32, #tpu.memory_space<hbm>>) dst(%arg5 : memref<64xi32, #tpu.memory_space<vmem>>)
      tpu.yield
    }) : () -> ()
    %mul3A_5 = arith.constant 2 : i32
    %mul3A_6 = arith.muli %mul3A_5, %add3A : i32
    %add3A_7 = arith.constant 1 : i32
    %add3A_8 = arith.addi %mul3A_6, %add3A_7 : i32
    "tpu.region"() ({
      %run_scoped3A = tpu.sem_alloc : memref<!tpu.dma_semaphore, #tpu.memory_space<semaphore_mem>>
      %dma_start3A_19 = arith.constant 0 : i32
      %dma_start3A_20 = tpu.memref_slice %arg3[%add3A_8, %dma_start3A_19] : memref<64x64xi32, #tpu.memory_space<hbm>> -> memref<1x64xi32, #tpu.memory_space<hbm>>
      %dma_start3A_21 = tpu.memref_squeeze %dma_start3A_20 : memref<1x64xi32, #tpu.memory_space<hbm>> -> memref<64xi32, #tpu.memory_space<hbm>>
      %dma_start3A_22 = arith.constant 0 : i32
      %dma_start3A_23 = tpu.memref_slice %arg3[%add3A_8, %dma_start3A_22] : memref<64x64xi32, #tpu.memory_space<hbm>> -> memref<1x64xi32, #tpu.memory_space<hbm>>
      %dma_start3A_24 = tpu.memref_squeeze %dma_start3A_23 : memref<1x64xi32, #tpu.memory_space<hbm>> -> memref<64xi32, #tpu.memory_space<hbm>>
      tpu.enqueue_dma source(%dma_start3A_24 : memref<64xi32, #tpu.memory_space<hbm>>) target(%arg6 : memref<64xi32, #tpu.memory_space<vmem>>) target_semaphore(%run_scoped3A : memref<!tpu.dma_semaphore, #tpu.memory_space<semaphore_mem>>)
      %dma_wait3A_25 = arith.constant 0 : i32
      %dma_wait3A_26 = tpu.memref_slice %arg3[%add3A_8, %dma_wait3A_25] : memref<64x64xi32, #tpu.memory_space<hbm>> -> memref<1x64xi32, #tpu.memory_space<hbm>>
      %dma_wait3A_27 = tpu.memref_squeeze %dma_wait3A_26 : memref<1x64xi32, #tpu.memory_space<hbm>> -> memref<64xi32, #tpu.memory_space<hbm>>
      %dma_wait3A_28 = arith.constant 0 : i32
      %dma_wait3A_29 = tpu.memref_slice %arg3[%add3A_8, %dma_wait3A_28] : memref<64x64xi32, #tpu.memory_space<hbm>> -> memref<1x64xi32, #tpu.memory_space<hbm>>
      %dma_wait3A_30 = tpu.memref_squeeze %dma_wait3A_29 : memref<1x64xi32, #tpu.memory_space<hbm>> -> memref<64xi32, #tpu.memory_space<hbm>>
      tpu.wait_dma2 semaphore(%run_scoped3A : memref<!tpu.dma_semaphore, #tpu.memory_space<semaphore_mem>>) src(%dma_wait3A_30 : memref<64xi32, #tpu.memory_space<hbm>>) dst(%arg6 : memref<64xi32, #tpu.memory_space<vmem>>)
      tpu.yield
    }) : () -> ()
    "tpu.region"() ({
      %run_scoped3A = tpu.sem_alloc : memref<!tpu.dma_semaphore, #tpu.memory_space<semaphore_mem>>
      %dma_start3A_19 = arith.constant 0 : i32
      %dma_start3A_20 = tpu.memref_slice %arg2[%mul3A_2, %dma_start3A_19] : memref<2048x1024xf32, #tpu.memory_space<hbm>> -> memref<64x1024xf32, #tpu.memory_space<hbm>>
      %dma_start3A_21 = arith.constant 0 : i32
      %dma_start3A_22 = tpu.memref_slice %arg2[%mul3A_2, %dma_start3A_21] : memref<2048x1024xf32, #tpu.memory_space<hbm>> -> memref<64x1024xf32, #tpu.memory_space<hbm>>
      tpu.enqueue_dma source(%dma_start3A_22 : memref<64x1024xf32, #tpu.memory_space<hbm>>) target(%arg7 : memref<64x1024xf32, #tpu.memory_space<vmem>>) target_semaphore(%run_scoped3A : memref<!tpu.dma_semaphore, #tpu.memory_space<semaphore_mem>>)
      %dma_wait3A_23 = arith.constant 0 : i32
      %dma_wait3A_24 = tpu.memref_slice %arg2[%mul3A_2, %dma_wait3A_23] : memref<2048x1024xf32, #tpu.memory_space<hbm>> -> memref<64x1024xf32, #tpu.memory_space<hbm>>
      %dma_wait3A_25 = arith.constant 0 : i32
      %dma_wait3A_26 = tpu.memref_slice %arg2[%mul3A_2, %dma_wait3A_25] : memref<2048x1024xf32, #tpu.memory_space<hbm>> -> memref<64x1024xf32, #tpu.memory_space<hbm>>
      tpu.wait_dma2 semaphore(%run_scoped3A : memref<!tpu.dma_semaphore, #tpu.memory_space<semaphore_mem>>) src(%dma_wait3A_26 : memref<64x1024xf32, #tpu.memory_space<hbm>>) dst(%arg7 : memref<64x1024xf32, #tpu.memory_space<vmem>>)
      tpu.yield
    }) : () -> ()
    %dma_start3A = arith.constant 0 : i32
    %dma_start3A_9 = arith.constant 0 : i32
    %dma_start3A_10 = tpu.memref_slice %arg4[%dma_start3A, %dma_start3A_9] : memref<12288x1024xf32, #tpu.memory_space<hbm>> -> memref<12288x1024xf32, #tpu.memory_space<hbm>>
    tpu.enqueue_indirect_dma source(%arg7 : memref<64x1024xf32, #tpu.memory_space<vmem>>) target(%dma_start3A_10 : memref<12288x1024xf32, #tpu.memory_space<hbm>>) offsets(%arg5 : memref<64xi32, #tpu.memory_space<vmem>>) semaphore(%arg8 : memref<!tpu.dma_semaphore, #tpu.memory_space<semaphore_mem>>)
    %dma_start3A_11 = arith.constant 0 : i32
    %dma_start3A_12 = arith.constant 0 : i32
    %dma_start3A_13 = tpu.memref_slice %arg4[%dma_start3A_11, %dma_start3A_12] : memref<12288x1024xf32, #tpu.memory_space<hbm>> -> memref<12288x1024xf32, #tpu.memory_space<hbm>>
    tpu.enqueue_indirect_dma source(%arg7 : memref<64x1024xf32, #tpu.memory_space<vmem>>) target(%dma_start3A_13 : memref<12288x1024xf32, #tpu.memory_space<hbm>>) offsets(%arg6 : memref<64xi32, #tpu.memory_space<vmem>>) semaphore(%arg8 : memref<!tpu.dma_semaphore, #tpu.memory_space<semaphore_mem>>)
    %dma_wait3A = arith.constant 0 : i32
    %dma_wait3A_14 = arith.constant 0 : i32
    %dma_wait3A_15 = tpu.memref_slice %arg4[%dma_wait3A, %dma_wait3A_14] : memref<12288x1024xf32, #tpu.memory_space<hbm>> -> memref<12288x1024xf32, #tpu.memory_space<hbm>>
    tpu.wait_indirect_dma semaphore(%arg8 : memref<!tpu.dma_semaphore, #tpu.memory_space<semaphore_mem>>) src(%arg7 : memref<64x1024xf32, #tpu.memory_space<vmem>>) dst(%dma_wait3A_15 : memref<12288x1024xf32, #tpu.memory_space<hbm>>)
    %dma_wait3A_16 = arith.constant 0 : i32
    %dma_wait3A_17 = arith.constant 0 : i32
    %dma_wait3A_18 = tpu.memref_slice %arg4[%dma_wait3A_16, %dma_wait3A_17] : memref<12288x1024xf32, #tpu.memory_space<hbm>> -> memref<12288x1024xf32, #tpu.memory_space<hbm>>
    tpu.wait_indirect_dma semaphore(%arg8 : memref<!tpu.dma_semaphore, #tpu.memory_space<semaphore_mem>>) src(%arg7 : memref<64x1024xf32, #tpu.memory_space<vmem>>) dst(%dma_wait3A_18 : memref<12288x1024xf32, #tpu.memory_space<hbm>>)
    return
  }
}

#map = affine_map<(d0, d1) -> (0, 0)>
module attributes {stable_mosaic.version = 14 : i64} {
  func.func @_gather_body(%arg0: i32, %arg1: i32, %arg2: memref<12288x1024xf32, #tpu.memory_space<hbm>>, %arg3: memref<64x64xi32, #tpu.memory_space<hbm>>, %arg4: memref<4096x1024xf32, #tpu.memory_space<hbm>>, %arg5: memref<64xi32, #tpu.memory_space<vmem>>, %arg6: memref<64xi32, #tpu.memory_space<vmem>>, %arg7: memref<2x32x1024xf32, #tpu.memory_space<vmem>>, %arg8: memref<!tpu.dma_semaphore, #tpu.memory_space<semaphore_mem>>) attributes {dimension_semantics = [#tpu.dimension_semantics<core_parallel>, #tpu.dimension_semantics<subcore_parallel>], iteration_bounds = array<i64: 2, 16>, scalar_prefetch = 0 : i64, scratch_operands = 4 : i64, tpu.core_type = #tpu.core_type<sc_vector_subcore>, window_params = [{transform_indices = #map}, {transform_indices = #map}, {transform_indices = #map}]} {
    %mul3A = arith.constant 2 : i32
    %mul3A_0 = arith.muli %arg1, %mul3A : i32
    %add3A = arith.addi %mul3A_0, %arg0 : i32
    %mul3A_1 = arith.constant 64 : i32
    %mul3A_2 = arith.muli %add3A, %mul3A_1 : i32
    %mul3A_3 = arith.constant 2 : i32
    %mul3A_4 = arith.muli %mul3A_3, %add3A : i32
    "tpu.region"() ({
      %run_scoped3A_106 = tpu.sem_alloc : memref<!tpu.dma_semaphore, #tpu.memory_space<semaphore_mem>>
      %dma_start3A_107 = arith.constant 0 : i32
      %dma_start3A_108 = tpu.memref_slice %arg3[%mul3A_4, %dma_start3A_107] : memref<64x64xi32, #tpu.memory_space<hbm>> -> memref<1x64xi32, #tpu.memory_space<hbm>>
      %dma_start3A_109 = tpu.memref_squeeze %dma_start3A_108 : memref<1x64xi32, #tpu.memory_space<hbm>> -> memref<64xi32, #tpu.memory_space<hbm>>
      %dma_start3A_110 = arith.constant 0 : i32
      %dma_start3A_111 = tpu.memref_slice %arg3[%mul3A_4, %dma_start3A_110] : memref<64x64xi32, #tpu.memory_space<hbm>> -> memref<1x64xi32, #tpu.memory_space<hbm>>
      %dma_start3A_112 = tpu.memref_squeeze %dma_start3A_111 : memref<1x64xi32, #tpu.memory_space<hbm>> -> memref<64xi32, #tpu.memory_space<hbm>>
      tpu.enqueue_dma source(%dma_start3A_112 : memref<64xi32, #tpu.memory_space<hbm>>) target(%arg5 : memref<64xi32, #tpu.memory_space<vmem>>) target_semaphore(%run_scoped3A_106 : memref<!tpu.dma_semaphore, #tpu.memory_space<semaphore_mem>>)
      %dma_wait3A_113 = arith.constant 0 : i32
      %dma_wait3A_114 = tpu.memref_slice %arg3[%mul3A_4, %dma_wait3A_113] : memref<64x64xi32, #tpu.memory_space<hbm>> -> memref<1x64xi32, #tpu.memory_space<hbm>>
      %dma_wait3A_115 = tpu.memref_squeeze %dma_wait3A_114 : memref<1x64xi32, #tpu.memory_space<hbm>> -> memref<64xi32, #tpu.memory_space<hbm>>
      %dma_wait3A_116 = arith.constant 0 : i32
      %dma_wait3A_117 = tpu.memref_slice %arg3[%mul3A_4, %dma_wait3A_116] : memref<64x64xi32, #tpu.memory_space<hbm>> -> memref<1x64xi32, #tpu.memory_space<hbm>>
      %dma_wait3A_118 = tpu.memref_squeeze %dma_wait3A_117 : memref<1x64xi32, #tpu.memory_space<hbm>> -> memref<64xi32, #tpu.memory_space<hbm>>
      tpu.wait_dma2 semaphore(%run_scoped3A_106 : memref<!tpu.dma_semaphore, #tpu.memory_space<semaphore_mem>>) src(%dma_wait3A_118 : memref<64xi32, #tpu.memory_space<hbm>>) dst(%arg5 : memref<64xi32, #tpu.memory_space<vmem>>)
      tpu.yield
    }) : () -> ()
    %mul3A_5 = arith.constant 2 : i32
    %mul3A_6 = arith.muli %mul3A_5, %add3A : i32
    %add3A_7 = arith.constant 1 : i32
    %add3A_8 = arith.addi %mul3A_6, %add3A_7 : i32
    "tpu.region"() ({
      %run_scoped3A_106 = tpu.sem_alloc : memref<!tpu.dma_semaphore, #tpu.memory_space<semaphore_mem>>
      %dma_start3A_107 = arith.constant 0 : i32
      %dma_start3A_108 = tpu.memref_slice %arg3[%add3A_8, %dma_start3A_107] : memref<64x64xi32, #tpu.memory_space<hbm>> -> memref<1x64xi32, #tpu.memory_space<hbm>>
      %dma_start3A_109 = tpu.memref_squeeze %dma_start3A_108 : memref<1x64xi32, #tpu.memory_space<hbm>> -> memref<64xi32, #tpu.memory_space<hbm>>
      %dma_start3A_110 = arith.constant 0 : i32
      %dma_start3A_111 = tpu.memref_slice %arg3[%add3A_8, %dma_start3A_110] : memref<64x64xi32, #tpu.memory_space<hbm>> -> memref<1x64xi32, #tpu.memory_space<hbm>>
      %dma_start3A_112 = tpu.memref_squeeze %dma_start3A_111 : memref<1x64xi32, #tpu.memory_space<hbm>> -> memref<64xi32, #tpu.memory_space<hbm>>
      tpu.enqueue_dma source(%dma_start3A_112 : memref<64xi32, #tpu.memory_space<hbm>>) target(%arg6 : memref<64xi32, #tpu.memory_space<vmem>>) target_semaphore(%run_scoped3A_106 : memref<!tpu.dma_semaphore, #tpu.memory_space<semaphore_mem>>)
      %dma_wait3A_113 = arith.constant 0 : i32
      %dma_wait3A_114 = tpu.memref_slice %arg3[%add3A_8, %dma_wait3A_113] : memref<64x64xi32, #tpu.memory_space<hbm>> -> memref<1x64xi32, #tpu.memory_space<hbm>>
      %dma_wait3A_115 = tpu.memref_squeeze %dma_wait3A_114 : memref<1x64xi32, #tpu.memory_space<hbm>> -> memref<64xi32, #tpu.memory_space<hbm>>
      %dma_wait3A_116 = arith.constant 0 : i32
      %dma_wait3A_117 = tpu.memref_slice %arg3[%add3A_8, %dma_wait3A_116] : memref<64x64xi32, #tpu.memory_space<hbm>> -> memref<1x64xi32, #tpu.memory_space<hbm>>
      %dma_wait3A_118 = tpu.memref_squeeze %dma_wait3A_117 : memref<1x64xi32, #tpu.memory_space<hbm>> -> memref<64xi32, #tpu.memory_space<hbm>>
      tpu.wait_dma2 semaphore(%run_scoped3A_106 : memref<!tpu.dma_semaphore, #tpu.memory_space<semaphore_mem>>) src(%dma_wait3A_118 : memref<64xi32, #tpu.memory_space<hbm>>) dst(%arg6 : memref<64xi32, #tpu.memory_space<vmem>>)
      tpu.yield
    }) : () -> ()
    %dma_start3A = arith.constant 0 : i32
    %dma_start3A_9 = arith.constant 0 : i32
    %dma_start3A_10 = arith.constant 0 : i32
    %dma_start3A_11 = tpu.memref_slice %arg7[%dma_start3A, %dma_start3A_9, %dma_start3A_10] : memref<2x32x1024xf32, #tpu.memory_space<vmem>> -> memref<1x32x1024xf32, #tpu.memory_space<vmem>>
    %dma_start3A_12 = tpu.memref_squeeze %dma_start3A_11 : memref<1x32x1024xf32, #tpu.memory_space<vmem>> -> memref<32x1024xf32, #tpu.memory_space<vmem>>
    %dma_start3A_13 = arith.constant 0 : i32
    %dma_start3A_14 = tpu.memref_slice %arg5[%dma_start3A_13] : memref<64xi32, #tpu.memory_space<vmem>> -> memref<32xi32, #tpu.memory_space<vmem>>
    %dma_start3A_15 = arith.constant 0 : i32
    %dma_start3A_16 = arith.constant 0 : i32
    %dma_start3A_17 = tpu.memref_slice %arg2[%dma_start3A_15, %dma_start3A_16] : memref<12288x1024xf32, #tpu.memory_space<hbm>> -> memref<12288x1024xf32, #tpu.memory_space<hbm>>
    tpu.enqueue_indirect_dma source(%dma_start3A_17 : memref<12288x1024xf32, #tpu.memory_space<hbm>>) target(%dma_start3A_12 : memref<32x1024xf32, #tpu.memory_space<vmem>>) offsets(%dma_start3A_14 : memref<32xi32, #tpu.memory_space<vmem>>) semaphore(%arg8 : memref<!tpu.dma_semaphore, #tpu.memory_space<semaphore_mem>>)
    %dma_wait3A = arith.constant 0 : i32
    %dma_wait3A_18 = arith.constant 0 : i32
    %dma_wait3A_19 = arith.constant 0 : i32
    %dma_wait3A_20 = tpu.memref_slice %arg7[%dma_wait3A, %dma_wait3A_18, %dma_wait3A_19] : memref<2x32x1024xf32, #tpu.memory_space<vmem>> -> memref<1x32x1024xf32, #tpu.memory_space<vmem>>
    %dma_wait3A_21 = tpu.memref_squeeze %dma_wait3A_20 : memref<1x32x1024xf32, #tpu.memory_space<vmem>> -> memref<32x1024xf32, #tpu.memory_space<vmem>>
    %dma_wait3A_22 = arith.constant 0 : i32
    %dma_wait3A_23 = tpu.memref_slice %arg5[%dma_wait3A_22] : memref<64xi32, #tpu.memory_space<vmem>> -> memref<32xi32, #tpu.memory_space<vmem>>
    %dma_wait3A_24 = arith.constant 0 : i32
    %dma_wait3A_25 = arith.constant 0 : i32
    %dma_wait3A_26 = tpu.memref_slice %arg2[%dma_wait3A_24, %dma_wait3A_25] : memref<12288x1024xf32, #tpu.memory_space<hbm>> -> memref<12288x1024xf32, #tpu.memory_space<hbm>>
    tpu.wait_indirect_dma semaphore(%arg8 : memref<!tpu.dma_semaphore, #tpu.memory_space<semaphore_mem>>) src(%dma_wait3A_26 : memref<12288x1024xf32, #tpu.memory_space<hbm>>) dst(%dma_wait3A_21 : memref<32x1024xf32, #tpu.memory_space<vmem>>)
    %dma_start3A_27 = arith.constant 1 : i32
    %dma_start3A_28 = arith.constant 0 : i32
    %dma_start3A_29 = arith.constant 0 : i32
    %dma_start3A_30 = tpu.memref_slice %arg7[%dma_start3A_27, %dma_start3A_28, %dma_start3A_29] : memref<2x32x1024xf32, #tpu.memory_space<vmem>> -> memref<1x32x1024xf32, #tpu.memory_space<vmem>>
    %dma_start3A_31 = tpu.memref_squeeze %dma_start3A_30 : memref<1x32x1024xf32, #tpu.memory_space<vmem>> -> memref<32x1024xf32, #tpu.memory_space<vmem>>
    %dma_start3A_32 = arith.constant 32 : i32
    %dma_start3A_33 = tpu.memref_slice %arg5[%dma_start3A_32] : memref<64xi32, #tpu.memory_space<vmem>> -> memref<32xi32, #tpu.memory_space<vmem>>
    %dma_start3A_34 = arith.constant 0 : i32
    %dma_start3A_35 = arith.constant 0 : i32
    %dma_start3A_36 = tpu.memref_slice %arg2[%dma_start3A_34, %dma_start3A_35] : memref<12288x1024xf32, #tpu.memory_space<hbm>> -> memref<12288x1024xf32, #tpu.memory_space<hbm>>
    tpu.enqueue_indirect_dma source(%dma_start3A_36 : memref<12288x1024xf32, #tpu.memory_space<hbm>>) target(%dma_start3A_31 : memref<32x1024xf32, #tpu.memory_space<vmem>>) offsets(%dma_start3A_33 : memref<32xi32, #tpu.memory_space<vmem>>) semaphore(%arg8 : memref<!tpu.dma_semaphore, #tpu.memory_space<semaphore_mem>>)
    %add3A_37 = arith.constant 0 : i32
    %add3A_38 = arith.addi %add3A_37, %mul3A_2 : i32
    %add3A_39 = arith.constant 0 : i32
    %add3A_40 = arith.addi %add3A_38, %add3A_39 : i32
    %run_scoped3A = arith.constant 0 : i32
    "tpu.region"() ({
      %run_scoped3A_106 = tpu.sem_alloc : memref<!tpu.dma_semaphore, #tpu.memory_space<semaphore_mem>>
      %dma_start3A_107 = arith.constant 0 : i32
      %dma_start3A_108 = arith.constant 0 : i32
      %dma_start3A_109 = tpu.memref_slice %arg7[%run_scoped3A, %dma_start3A_107, %dma_start3A_108] : memref<2x32x1024xf32, #tpu.memory_space<vmem>> -> memref<1x32x1024xf32, #tpu.memory_space<vmem>>
      %dma_start3A_110 = tpu.memref_squeeze %dma_start3A_109 : memref<1x32x1024xf32, #tpu.memory_space<vmem>> -> memref<32x1024xf32, #tpu.memory_space<vmem>>
      %dma_start3A_111 = arith.constant 0 : i32
      %dma_start3A_112 = tpu.memref_slice %arg4[%add3A_40, %dma_start3A_111] : memref<4096x1024xf32, #tpu.memory_space<hbm>> -> memref<32x1024xf32, #tpu.memory_space<hbm>>
      %dma_start3A_113 = arith.constant 0 : i32
      %dma_start3A_114 = tpu.memref_slice %arg4[%add3A_40, %dma_start3A_113] : memref<4096x1024xf32, #tpu.memory_space<hbm>> -> memref<32x1024xf32, #tpu.memory_space<hbm>>
      %dma_start3A_115 = arith.constant 0 : i32
      %dma_start3A_116 = arith.constant 0 : i32
      %dma_start3A_117 = tpu.memref_slice %arg7[%run_scoped3A, %dma_start3A_115, %dma_start3A_116] : memref<2x32x1024xf32, #tpu.memory_space<vmem>> -> memref<1x32x1024xf32, #tpu.memory_space<vmem>>
      %dma_start3A_118 = tpu.memref_squeeze %dma_start3A_117 : memref<1x32x1024xf32, #tpu.memory_space<vmem>> -> memref<32x1024xf32, #tpu.memory_space<vmem>>
      tpu.enqueue_dma source(%dma_start3A_118 : memref<32x1024xf32, #tpu.memory_space<vmem>>) target(%dma_start3A_114 : memref<32x1024xf32, #tpu.memory_space<hbm>>) target_semaphore(%run_scoped3A_106 : memref<!tpu.dma_semaphore, #tpu.memory_space<semaphore_mem>>)
      %dma_wait3A_119 = arith.constant 0 : i32
      %dma_wait3A_120 = arith.constant 0 : i32
      %dma_wait3A_121 = tpu.memref_slice %arg7[%run_scoped3A, %dma_wait3A_119, %dma_wait3A_120] : memref<2x32x1024xf32, #tpu.memory_space<vmem>> -> memref<1x32x1024xf32, #tpu.memory_space<vmem>>
      %dma_wait3A_122 = tpu.memref_squeeze %dma_wait3A_121 : memref<1x32x1024xf32, #tpu.memory_space<vmem>> -> memref<32x1024xf32, #tpu.memory_space<vmem>>
      %dma_wait3A_123 = arith.constant 0 : i32
      %dma_wait3A_124 = tpu.memref_slice %arg4[%add3A_40, %dma_wait3A_123] : memref<4096x1024xf32, #tpu.memory_space<hbm>> -> memref<32x1024xf32, #tpu.memory_space<hbm>>
      %dma_wait3A_125 = arith.constant 0 : i32
      %dma_wait3A_126 = tpu.memref_slice %arg4[%add3A_40, %dma_wait3A_125] : memref<4096x1024xf32, #tpu.memory_space<hbm>> -> memref<32x1024xf32, #tpu.memory_space<hbm>>
      %dma_wait3A_127 = arith.constant 0 : i32
      %dma_wait3A_128 = arith.constant 0 : i32
      %dma_wait3A_129 = tpu.memref_slice %arg7[%run_scoped3A, %dma_wait3A_127, %dma_wait3A_128] : memref<2x32x1024xf32, #tpu.memory_space<vmem>> -> memref<1x32x1024xf32, #tpu.memory_space<vmem>>
      %dma_wait3A_130 = tpu.memref_squeeze %dma_wait3A_129 : memref<1x32x1024xf32, #tpu.memory_space<vmem>> -> memref<32x1024xf32, #tpu.memory_space<vmem>>
      tpu.wait_dma2 semaphore(%run_scoped3A_106 : memref<!tpu.dma_semaphore, #tpu.memory_space<semaphore_mem>>) src(%dma_wait3A_130 : memref<32x1024xf32, #tpu.memory_space<vmem>>) dst(%dma_wait3A_126 : memref<32x1024xf32, #tpu.memory_space<hbm>>)
      tpu.yield
    }) : () -> ()
    %dma_wait3A_41 = arith.constant 1 : i32
    %dma_wait3A_42 = arith.constant 0 : i32
    %dma_wait3A_43 = arith.constant 0 : i32
    %dma_wait3A_44 = tpu.memref_slice %arg7[%dma_wait3A_41, %dma_wait3A_42, %dma_wait3A_43] : memref<2x32x1024xf32, #tpu.memory_space<vmem>> -> memref<1x32x1024xf32, #tpu.memory_space<vmem>>
    %dma_wait3A_45 = tpu.memref_squeeze %dma_wait3A_44 : memref<1x32x1024xf32, #tpu.memory_space<vmem>> -> memref<32x1024xf32, #tpu.memory_space<vmem>>
    %dma_wait3A_46 = arith.constant 32 : i32
    %dma_wait3A_47 = tpu.memref_slice %arg5[%dma_wait3A_46] : memref<64xi32, #tpu.memory_space<vmem>> -> memref<32xi32, #tpu.memory_space<vmem>>
    %dma_wait3A_48 = arith.constant 0 : i32
    %dma_wait3A_49 = arith.constant 0 : i32
    %dma_wait3A_50 = tpu.memref_slice %arg2[%dma_wait3A_48, %dma_wait3A_49] : memref<12288x1024xf32, #tpu.memory_space<hbm>> -> memref<12288x1024xf32, #tpu.memory_space<hbm>>
    tpu.wait_indirect_dma semaphore(%arg8 : memref<!tpu.dma_semaphore, #tpu.memory_space<semaphore_mem>>) src(%dma_wait3A_50 : memref<12288x1024xf32, #tpu.memory_space<hbm>>) dst(%dma_wait3A_45 : memref<32x1024xf32, #tpu.memory_space<vmem>>)
    %dma_start3A_51 = arith.constant 0 : i32
    %dma_start3A_52 = arith.constant 0 : i32
    %dma_start3A_53 = arith.constant 0 : i32
    %dma_start3A_54 = tpu.memref_slice %arg7[%dma_start3A_51, %dma_start3A_52, %dma_start3A_53] : memref<2x32x1024xf32, #tpu.memory_space<vmem>> -> memref<1x32x1024xf32, #tpu.memory_space<vmem>>
    %dma_start3A_55 = tpu.memref_squeeze %dma_start3A_54 : memref<1x32x1024xf32, #tpu.memory_space<vmem>> -> memref<32x1024xf32, #tpu.memory_space<vmem>>
    %dma_start3A_56 = arith.constant 0 : i32
    %dma_start3A_57 = tpu.memref_slice %arg6[%dma_start3A_56] : memref<64xi32, #tpu.memory_space<vmem>> -> memref<32xi32, #tpu.memory_space<vmem>>
    %dma_start3A_58 = arith.constant 0 : i32
    %dma_start3A_59 = arith.constant 0 : i32
    %dma_start3A_60 = tpu.memref_slice %arg2[%dma_start3A_58, %dma_start3A_59] : memref<12288x1024xf32, #tpu.memory_space<hbm>> -> memref<12288x1024xf32, #tpu.memory_space<hbm>>
    tpu.enqueue_indirect_dma source(%dma_start3A_60 : memref<12288x1024xf32, #tpu.memory_space<hbm>>) target(%dma_start3A_55 : memref<32x1024xf32, #tpu.memory_space<vmem>>) offsets(%dma_start3A_57 : memref<32xi32, #tpu.memory_space<vmem>>) semaphore(%arg8 : memref<!tpu.dma_semaphore, #tpu.memory_space<semaphore_mem>>)
    %add3A_61 = arith.constant 0 : i32
    %add3A_62 = arith.addi %add3A_61, %mul3A_2 : i32
    %add3A_63 = arith.constant 32 : i32
    %add3A_64 = arith.addi %add3A_62, %add3A_63 : i32
    %run_scoped3A_65 = arith.constant 1 : i32
    "tpu.region"() ({
      %run_scoped3A_106 = tpu.sem_alloc : memref<!tpu.dma_semaphore, #tpu.memory_space<semaphore_mem>>
      %dma_start3A_107 = arith.constant 0 : i32
      %dma_start3A_108 = arith.constant 0 : i32
      %dma_start3A_109 = tpu.memref_slice %arg7[%run_scoped3A_65, %dma_start3A_107, %dma_start3A_108] : memref<2x32x1024xf32, #tpu.memory_space<vmem>> -> memref<1x32x1024xf32, #tpu.memory_space<vmem>>
      %dma_start3A_110 = tpu.memref_squeeze %dma_start3A_109 : memref<1x32x1024xf32, #tpu.memory_space<vmem>> -> memref<32x1024xf32, #tpu.memory_space<vmem>>
      %dma_start3A_111 = arith.constant 0 : i32
      %dma_start3A_112 = tpu.memref_slice %arg4[%add3A_64, %dma_start3A_111] : memref<4096x1024xf32, #tpu.memory_space<hbm>> -> memref<32x1024xf32, #tpu.memory_space<hbm>>
      %dma_start3A_113 = arith.constant 0 : i32
      %dma_start3A_114 = tpu.memref_slice %arg4[%add3A_64, %dma_start3A_113] : memref<4096x1024xf32, #tpu.memory_space<hbm>> -> memref<32x1024xf32, #tpu.memory_space<hbm>>
      %dma_start3A_115 = arith.constant 0 : i32
      %dma_start3A_116 = arith.constant 0 : i32
      %dma_start3A_117 = tpu.memref_slice %arg7[%run_scoped3A_65, %dma_start3A_115, %dma_start3A_116] : memref<2x32x1024xf32, #tpu.memory_space<vmem>> -> memref<1x32x1024xf32, #tpu.memory_space<vmem>>
      %dma_start3A_118 = tpu.memref_squeeze %dma_start3A_117 : memref<1x32x1024xf32, #tpu.memory_space<vmem>> -> memref<32x1024xf32, #tpu.memory_space<vmem>>
      tpu.enqueue_dma source(%dma_start3A_118 : memref<32x1024xf32, #tpu.memory_space<vmem>>) target(%dma_start3A_114 : memref<32x1024xf32, #tpu.memory_space<hbm>>) target_semaphore(%run_scoped3A_106 : memref<!tpu.dma_semaphore, #tpu.memory_space<semaphore_mem>>)
      %dma_wait3A_119 = arith.constant 0 : i32
      %dma_wait3A_120 = arith.constant 0 : i32
      %dma_wait3A_121 = tpu.memref_slice %arg7[%run_scoped3A_65, %dma_wait3A_119, %dma_wait3A_120] : memref<2x32x1024xf32, #tpu.memory_space<vmem>> -> memref<1x32x1024xf32, #tpu.memory_space<vmem>>
      %dma_wait3A_122 = tpu.memref_squeeze %dma_wait3A_121 : memref<1x32x1024xf32, #tpu.memory_space<vmem>> -> memref<32x1024xf32, #tpu.memory_space<vmem>>
      %dma_wait3A_123 = arith.constant 0 : i32
      %dma_wait3A_124 = tpu.memref_slice %arg4[%add3A_64, %dma_wait3A_123] : memref<4096x1024xf32, #tpu.memory_space<hbm>> -> memref<32x1024xf32, #tpu.memory_space<hbm>>
      %dma_wait3A_125 = arith.constant 0 : i32
      %dma_wait3A_126 = tpu.memref_slice %arg4[%add3A_64, %dma_wait3A_125] : memref<4096x1024xf32, #tpu.memory_space<hbm>> -> memref<32x1024xf32, #tpu.memory_space<hbm>>
      %dma_wait3A_127 = arith.constant 0 : i32
      %dma_wait3A_128 = arith.constant 0 : i32
      %dma_wait3A_129 = tpu.memref_slice %arg7[%run_scoped3A_65, %dma_wait3A_127, %dma_wait3A_128] : memref<2x32x1024xf32, #tpu.memory_space<vmem>> -> memref<1x32x1024xf32, #tpu.memory_space<vmem>>
      %dma_wait3A_130 = tpu.memref_squeeze %dma_wait3A_129 : memref<1x32x1024xf32, #tpu.memory_space<vmem>> -> memref<32x1024xf32, #tpu.memory_space<vmem>>
      tpu.wait_dma2 semaphore(%run_scoped3A_106 : memref<!tpu.dma_semaphore, #tpu.memory_space<semaphore_mem>>) src(%dma_wait3A_130 : memref<32x1024xf32, #tpu.memory_space<vmem>>) dst(%dma_wait3A_126 : memref<32x1024xf32, #tpu.memory_space<hbm>>)
      tpu.yield
    }) : () -> ()
    %dma_wait3A_66 = arith.constant 0 : i32
    %dma_wait3A_67 = arith.constant 0 : i32
    %dma_wait3A_68 = arith.constant 0 : i32
    %dma_wait3A_69 = tpu.memref_slice %arg7[%dma_wait3A_66, %dma_wait3A_67, %dma_wait3A_68] : memref<2x32x1024xf32, #tpu.memory_space<vmem>> -> memref<1x32x1024xf32, #tpu.memory_space<vmem>>
    %dma_wait3A_70 = tpu.memref_squeeze %dma_wait3A_69 : memref<1x32x1024xf32, #tpu.memory_space<vmem>> -> memref<32x1024xf32, #tpu.memory_space<vmem>>
    %dma_wait3A_71 = arith.constant 0 : i32
    %dma_wait3A_72 = tpu.memref_slice %arg6[%dma_wait3A_71] : memref<64xi32, #tpu.memory_space<vmem>> -> memref<32xi32, #tpu.memory_space<vmem>>
    %dma_wait3A_73 = arith.constant 0 : i32
    %dma_wait3A_74 = arith.constant 0 : i32
    %dma_wait3A_75 = tpu.memref_slice %arg2[%dma_wait3A_73, %dma_wait3A_74] : memref<12288x1024xf32, #tpu.memory_space<hbm>> -> memref<12288x1024xf32, #tpu.memory_space<hbm>>
    tpu.wait_indirect_dma semaphore(%arg8 : memref<!tpu.dma_semaphore, #tpu.memory_space<semaphore_mem>>) src(%dma_wait3A_75 : memref<12288x1024xf32, #tpu.memory_space<hbm>>) dst(%dma_wait3A_70 : memref<32x1024xf32, #tpu.memory_space<vmem>>)
    %dma_start3A_76 = arith.constant 1 : i32
    %dma_start3A_77 = arith.constant 0 : i32
    %dma_start3A_78 = arith.constant 0 : i32
    %dma_start3A_79 = tpu.memref_slice %arg7[%dma_start3A_76, %dma_start3A_77, %dma_start3A_78] : memref<2x32x1024xf32, #tpu.memory_space<vmem>> -> memref<1x32x1024xf32, #tpu.memory_space<vmem>>
    %dma_start3A_80 = tpu.memref_squeeze %dma_start3A_79 : memref<1x32x1024xf32, #tpu.memory_space<vmem>> -> memref<32x1024xf32, #tpu.memory_space<vmem>>
    %dma_start3A_81 = arith.constant 32 : i32
    %dma_start3A_82 = tpu.memref_slice %arg6[%dma_start3A_81] : memref<64xi32, #tpu.memory_space<vmem>> -> memref<32xi32, #tpu.memory_space<vmem>>
    %dma_start3A_83 = arith.constant 0 : i32
    %dma_start3A_84 = arith.constant 0 : i32
    %dma_start3A_85 = tpu.memref_slice %arg2[%dma_start3A_83, %dma_start3A_84] : memref<12288x1024xf32, #tpu.memory_space<hbm>> -> memref<12288x1024xf32, #tpu.memory_space<hbm>>
    tpu.enqueue_indirect_dma source(%dma_start3A_85 : memref<12288x1024xf32, #tpu.memory_space<hbm>>) target(%dma_start3A_80 : memref<32x1024xf32, #tpu.memory_space<vmem>>) offsets(%dma_start3A_82 : memref<32xi32, #tpu.memory_space<vmem>>) semaphore(%arg8 : memref<!tpu.dma_semaphore, #tpu.memory_space<semaphore_mem>>)
    %add3A_86 = arith.constant 2048 : i32
    %add3A_87 = arith.addi %add3A_86, %mul3A_2 : i32
    %add3A_88 = arith.constant 0 : i32
    %add3A_89 = arith.addi %add3A_87, %add3A_88 : i32
    %run_scoped3A_90 = arith.constant 0 : i32
    "tpu.region"() ({
      %run_scoped3A_106 = tpu.sem_alloc : memref<!tpu.dma_semaphore, #tpu.memory_space<semaphore_mem>>
      %dma_start3A_107 = arith.constant 0 : i32
      %dma_start3A_108 = arith.constant 0 : i32
      %dma_start3A_109 = tpu.memref_slice %arg7[%run_scoped3A_90, %dma_start3A_107, %dma_start3A_108] : memref<2x32x1024xf32, #tpu.memory_space<vmem>> -> memref<1x32x1024xf32, #tpu.memory_space<vmem>>
      %dma_start3A_110 = tpu.memref_squeeze %dma_start3A_109 : memref<1x32x1024xf32, #tpu.memory_space<vmem>> -> memref<32x1024xf32, #tpu.memory_space<vmem>>
      %dma_start3A_111 = arith.constant 0 : i32
      %dma_start3A_112 = tpu.memref_slice %arg4[%add3A_89, %dma_start3A_111] : memref<4096x1024xf32, #tpu.memory_space<hbm>> -> memref<32x1024xf32, #tpu.memory_space<hbm>>
      %dma_start3A_113 = arith.constant 0 : i32
      %dma_start3A_114 = tpu.memref_slice %arg4[%add3A_89, %dma_start3A_113] : memref<4096x1024xf32, #tpu.memory_space<hbm>> -> memref<32x1024xf32, #tpu.memory_space<hbm>>
      %dma_start3A_115 = arith.constant 0 : i32
      %dma_start3A_116 = arith.constant 0 : i32
      %dma_start3A_117 = tpu.memref_slice %arg7[%run_scoped3A_90, %dma_start3A_115, %dma_start3A_116] : memref<2x32x1024xf32, #tpu.memory_space<vmem>> -> memref<1x32x1024xf32, #tpu.memory_space<vmem>>
      %dma_start3A_118 = tpu.memref_squeeze %dma_start3A_117 : memref<1x32x1024xf32, #tpu.memory_space<vmem>> -> memref<32x1024xf32, #tpu.memory_space<vmem>>
      tpu.enqueue_dma source(%dma_start3A_118 : memref<32x1024xf32, #tpu.memory_space<vmem>>) target(%dma_start3A_114 : memref<32x1024xf32, #tpu.memory_space<hbm>>) target_semaphore(%run_scoped3A_106 : memref<!tpu.dma_semaphore, #tpu.memory_space<semaphore_mem>>)
      %dma_wait3A_119 = arith.constant 0 : i32
      %dma_wait3A_120 = arith.constant 0 : i32
      %dma_wait3A_121 = tpu.memref_slice %arg7[%run_scoped3A_90, %dma_wait3A_119, %dma_wait3A_120] : memref<2x32x1024xf32, #tpu.memory_space<vmem>> -> memref<1x32x1024xf32, #tpu.memory_space<vmem>>
      %dma_wait3A_122 = tpu.memref_squeeze %dma_wait3A_121 : memref<1x32x1024xf32, #tpu.memory_space<vmem>> -> memref<32x1024xf32, #tpu.memory_space<vmem>>
      %dma_wait3A_123 = arith.constant 0 : i32
      %dma_wait3A_124 = tpu.memref_slice %arg4[%add3A_89, %dma_wait3A_123] : memref<4096x1024xf32, #tpu.memory_space<hbm>> -> memref<32x1024xf32, #tpu.memory_space<hbm>>
      %dma_wait3A_125 = arith.constant 0 : i32
      %dma_wait3A_126 = tpu.memref_slice %arg4[%add3A_89, %dma_wait3A_125] : memref<4096x1024xf32, #tpu.memory_space<hbm>> -> memref<32x1024xf32, #tpu.memory_space<hbm>>
      %dma_wait3A_127 = arith.constant 0 : i32
      %dma_wait3A_128 = arith.constant 0 : i32
      %dma_wait3A_129 = tpu.memref_slice %arg7[%run_scoped3A_90, %dma_wait3A_127, %dma_wait3A_128] : memref<2x32x1024xf32, #tpu.memory_space<vmem>> -> memref<1x32x1024xf32, #tpu.memory_space<vmem>>
      %dma_wait3A_130 = tpu.memref_squeeze %dma_wait3A_129 : memref<1x32x1024xf32, #tpu.memory_space<vmem>> -> memref<32x1024xf32, #tpu.memory_space<vmem>>
      tpu.wait_dma2 semaphore(%run_scoped3A_106 : memref<!tpu.dma_semaphore, #tpu.memory_space<semaphore_mem>>) src(%dma_wait3A_130 : memref<32x1024xf32, #tpu.memory_space<vmem>>) dst(%dma_wait3A_126 : memref<32x1024xf32, #tpu.memory_space<hbm>>)
      tpu.yield
    }) : () -> ()
    %dma_wait3A_91 = arith.constant 1 : i32
    %dma_wait3A_92 = arith.constant 0 : i32
    %dma_wait3A_93 = arith.constant 0 : i32
    %dma_wait3A_94 = tpu.memref_slice %arg7[%dma_wait3A_91, %dma_wait3A_92, %dma_wait3A_93] : memref<2x32x1024xf32, #tpu.memory_space<vmem>> -> memref<1x32x1024xf32, #tpu.memory_space<vmem>>
    %dma_wait3A_95 = tpu.memref_squeeze %dma_wait3A_94 : memref<1x32x1024xf32, #tpu.memory_space<vmem>> -> memref<32x1024xf32, #tpu.memory_space<vmem>>
    %dma_wait3A_96 = arith.constant 32 : i32
    %dma_wait3A_97 = tpu.memref_slice %arg6[%dma_wait3A_96] : memref<64xi32, #tpu.memory_space<vmem>> -> memref<32xi32, #tpu.memory_space<vmem>>
    %dma_wait3A_98 = arith.constant 0 : i32
    %dma_wait3A_99 = arith.constant 0 : i32
    %dma_wait3A_100 = tpu.memref_slice %arg2[%dma_wait3A_98, %dma_wait3A_99] : memref<12288x1024xf32, #tpu.memory_space<hbm>> -> memref<12288x1024xf32, #tpu.memory_space<hbm>>
    tpu.wait_indirect_dma semaphore(%arg8 : memref<!tpu.dma_semaphore, #tpu.memory_space<semaphore_mem>>) src(%dma_wait3A_100 : memref<12288x1024xf32, #tpu.memory_space<hbm>>) dst(%dma_wait3A_95 : memref<32x1024xf32, #tpu.memory_space<vmem>>)
    %add3A_101 = arith.constant 2048 : i32
    %add3A_102 = arith.addi %add3A_101, %mul3A_2 : i32
    %add3A_103 = arith.constant 32 : i32
    %add3A_104 = arith.addi %add3A_102, %add3A_103 : i32
    %run_scoped3A_105 = arith.constant 1 : i32
    "tpu.region"() ({
      %run_scoped3A_106 = tpu.sem_alloc : memref<!tpu.dma_semaphore, #tpu.memory_space<semaphore_mem>>
      %dma_start3A_107 = arith.constant 0 : i32
      %dma_start3A_108 = arith.constant 0 : i32
      %dma_start3A_109 = tpu.memref_slice %arg7[%run_scoped3A_105, %dma_start3A_107, %dma_start3A_108] : memref<2x32x1024xf32, #tpu.memory_space<vmem>> -> memref<1x32x1024xf32, #tpu.memory_space<vmem>>
      %dma_start3A_110 = tpu.memref_squeeze %dma_start3A_109 : memref<1x32x1024xf32, #tpu.memory_space<vmem>> -> memref<32x1024xf32, #tpu.memory_space<vmem>>
      %dma_start3A_111 = arith.constant 0 : i32
      %dma_start3A_112 = tpu.memref_slice %arg4[%add3A_104, %dma_start3A_111] : memref<4096x1024xf32, #tpu.memory_space<hbm>> -> memref<32x1024xf32, #tpu.memory_space<hbm>>
      %dma_start3A_113 = arith.constant 0 : i32
      %dma_start3A_114 = tpu.memref_slice %arg4[%add3A_104, %dma_start3A_113] : memref<4096x1024xf32, #tpu.memory_space<hbm>> -> memref<32x1024xf32, #tpu.memory_space<hbm>>
      %dma_start3A_115 = arith.constant 0 : i32
      %dma_start3A_116 = arith.constant 0 : i32
      %dma_start3A_117 = tpu.memref_slice %arg7[%run_scoped3A_105, %dma_start3A_115, %dma_start3A_116] : memref<2x32x1024xf32, #tpu.memory_space<vmem>> -> memref<1x32x1024xf32, #tpu.memory_space<vmem>>
      %dma_start3A_118 = tpu.memref_squeeze %dma_start3A_117 : memref<1x32x1024xf32, #tpu.memory_space<vmem>> -> memref<32x1024xf32, #tpu.memory_space<vmem>>
      tpu.enqueue_dma source(%dma_start3A_118 : memref<32x1024xf32, #tpu.memory_space<vmem>>) target(%dma_start3A_114 : memref<32x1024xf32, #tpu.memory_space<hbm>>) target_semaphore(%run_scoped3A_106 : memref<!tpu.dma_semaphore, #tpu.memory_space<semaphore_mem>>)
      %dma_wait3A_119 = arith.constant 0 : i32
      %dma_wait3A_120 = arith.constant 0 : i32
      %dma_wait3A_121 = tpu.memref_slice %arg7[%run_scoped3A_105, %dma_wait3A_119, %dma_wait3A_120] : memref<2x32x1024xf32, #tpu.memory_space<vmem>> -> memref<1x32x1024xf32, #tpu.memory_space<vmem>>
      %dma_wait3A_122 = tpu.memref_squeeze %dma_wait3A_121 : memref<1x32x1024xf32, #tpu.memory_space<vmem>> -> memref<32x1024xf32, #tpu.memory_space<vmem>>
      %dma_wait3A_123 = arith.constant 0 : i32
      %dma_wait3A_124 = tpu.memref_slice %arg4[%add3A_104, %dma_wait3A_123] : memref<4096x1024xf32, #tpu.memory_space<hbm>> -> memref<32x1024xf32, #tpu.memory_space<hbm>>
      %dma_wait3A_125 = arith.constant 0 : i32
      %dma_wait3A_126 = tpu.memref_slice %arg4[%add3A_104, %dma_wait3A_125] : memref<4096x1024xf32, #tpu.memory_space<hbm>> -> memref<32x1024xf32, #tpu.memory_space<hbm>>
      %dma_wait3A_127 = arith.constant 0 : i32
      %dma_wait3A_128 = arith.constant 0 : i32
      %dma_wait3A_129 = tpu.memref_slice %arg7[%run_scoped3A_105, %dma_wait3A_127, %dma_wait3A_128] : memref<2x32x1024xf32, #tpu.memory_space<vmem>> -> memref<1x32x1024xf32, #tpu.memory_space<vmem>>
      %dma_wait3A_130 = tpu.memref_squeeze %dma_wait3A_129 : memref<1x32x1024xf32, #tpu.memory_space<vmem>> -> memref<32x1024xf32, #tpu.memory_space<vmem>>
      tpu.wait_dma2 semaphore(%run_scoped3A_106 : memref<!tpu.dma_semaphore, #tpu.memory_space<semaphore_mem>>) src(%dma_wait3A_130 : memref<32x1024xf32, #tpu.memory_space<vmem>>) dst(%dma_wait3A_126 : memref<32x1024xf32, #tpu.memory_space<hbm>>)
      tpu.yield
    }) : () -> ()
    return
  }
}

module attributes {stable_mosaic.version = 14 : i64} {
  func.func @_router_body(%arg0: i32, %arg1: memref<256x1024xf32, #tpu.memory_space<vmem>>, %arg2: memref<64x1024xf32, #tpu.memory_space<vmem>>, %arg3: memref<256x64xf32, #tpu.memory_space<vmem>>, %arg4: memref<256x128xf32, #tpu.memory_space<vmem>>, %arg5: memref<8x64xf32, #tpu.memory_space<vmem>>, %arg6: memref<8x64xf32, #tpu.memory_space<vmem>>) attributes {dimension_semantics = [#tpu.dimension_semantics<arbitrary>], iteration_bounds = array<i64: 8>, scalar_prefetch = 0 : i64, scratch_operands = 1 : i64, tpu.core_type = #tpu.core_type<tc>, window_params = [{transform_indices = @transform_0, window_bounds = array<i64: 256, 1024>}, {pipeline_mode = #tpu.pipeline_mode<synchronous>, transform_indices = @transform_1, window_bounds = array<i64: 64, 1024>}, {transform_indices = @transform_2, window_bounds = array<i64: 256, 64>}, {transform_indices = @transform_3, window_bounds = array<i64: 256, 128>}, {pipeline_mode = #tpu.pipeline_mode<synchronous>, transform_indices = @transform_4, window_bounds = array<i64: 8, 64>}]} {
    %eq3A = arith.constant 0 : i32
    %eq3A_0 = arith.cmpi eq, %arg0, %eq3A : i32
    %convert_element_type3A = arith.extui %eq3A_0 : i1 to i32
    %cond3A = arith.constant 0 : i32
    %cond3A_1 = arith.cmpi ne, %convert_element_type3A, %cond3A : i32
    scf.if %cond3A_1 {
      %broadcast_in_dim3A_143 = arith.constant 0.000000e+00 : f32
      %broadcast_in_dim3A_144 = vector.broadcast %broadcast_in_dim3A_143 : f32 to vector<8x64xf32>
      %swap3A_145 = arith.constant 0 : index
      %swap3A_146 = arith.constant 0 : index
      %swap3A_147 = vector.load %arg6[%swap3A_145, %swap3A_146] : memref<8x64xf32, #tpu.memory_space<vmem>>, vector<8x64xf32>
      tpu.vector_store %arg6[%swap3A_145, %swap3A_146], %broadcast_in_dim3A_144 {strides = array<i32>} : memref<8x64xf32, #tpu.memory_space<vmem>>, vector<8x64xf32>,
    } else {
    }
    %get3A = arith.constant 0 : index
    %get3A_2 = arith.constant 0 : index
    %get3A_3 = vector.load %arg1[%get3A, %get3A_2] : memref<256x1024xf32, #tpu.memory_space<vmem>>, vector<256x1024xf32>
    %get3A_4 = arith.constant 0 : index
    %get3A_5 = arith.constant 0 : index
    %get3A_6 = vector.load %arg2[%get3A_4, %get3A_5] : memref<64x1024xf32, #tpu.memory_space<vmem>>, vector<64x1024xf32>
    %dot_general3A = arith.constant dense<0.000000e+00> : vector<256x64xf32>
    %dot_general3A_7 = tpu.matmul %get3A_3, %get3A_6, %dot_general3A {dimension_numbers = #tpu.dot_dimension_numbers<[1], [1], [0], [0], [0, 0, 1, 0], [], []>, transpose_lhs_hint = false} : vector<256x1024xf32>, vector<64x1024xf32>, vector<256x64xf32> -> vector<256x64xf32>
    %swap3A = arith.constant 0 : index
    %swap3A_8 = arith.constant 0 : index
    %swap3A_9 = vector.load %arg3[%swap3A, %swap3A_8] : memref<256x64xf32, #tpu.memory_space<vmem>>, vector<256x64xf32>
    tpu.vector_store %arg3[%swap3A, %swap3A_8], %dot_general3A_7 {strides = array<i32>} : memref<256x64xf32, #tpu.memory_space<vmem>>, vector<256x64xf32>,
    %reduce_max3A = arith.constant dense<0xFF800000> : vector<256xf32>
    %reduce_max3A_10 = vector.multi_reduction <maximumf>, %dot_general3A_7, %reduce_max3A [1] : vector<256x64xf32> to vector<256xf32>
    %broadcast_in_dim3A = vector.shape_cast %reduce_max3A_10 : vector<256xf32> to vector<256x1xf32>
    %sub3A = vector.broadcast %broadcast_in_dim3A : vector<256x1xf32> to vector<256x64xf32>
    %sub3A_11 = arith.subf %dot_general3A_7, %sub3A : vector<256x64xf32>
    %exp3A = math.exp %sub3A_11 : vector<256x64xf32>
    %reduce_sum3A = arith.constant dense<0.000000e+00> : vector<256xf32>
    %reduce_sum3A_12 = vector.multi_reduction <add>, %exp3A, %reduce_sum3A [1] : vector<256x64xf32> to vector<256xf32>
    %broadcast_in_dim3A_13 = vector.shape_cast %reduce_sum3A_12 : vector<256xf32> to vector<256x1xf32>
    %div3A = vector.broadcast %broadcast_in_dim3A_13 : vector<256x1xf32> to vector<256x64xf32>
    %div3A_14 = arith.divf %exp3A, %div3A : vector<256x64xf32>
    %iota3A = tpu.iota {dimensions = array<i32: 1>} : vector<256x64xi32>
    %reduce_max3A_15 = arith.constant dense<0xFF800000> : vector<256xf32>
    %reduce_max3A_16 = vector.multi_reduction <maximumf>, %div3A_14, %reduce_max3A_15 [1] : vector<256x64xf32> to vector<256xf32>
    %broadcast_in_dim3A_17 = vector.shape_cast %reduce_max3A_16 : vector<256xf32> to vector<256x1xf32>
    %eq3A_18 = vector.broadcast %broadcast_in_dim3A_17 : vector<256x1xf32> to vector<256x64xf32>
    %eq3A_19 = arith.cmpf oeq, %div3A_14, %eq3A_18 : vector<256x64xf32>
    %jit3A = arith.constant 64 : i32
    %broadcast_in_dim3A_20 = vector.broadcast %jit3A : i32 to vector<256x64xi32>
    %select_n3A = arith.select %eq3A_19, %iota3A, %broadcast_in_dim3A_20 : vector<256x64xi1>, vector<256x64xi32>
    %reduce_min3A = arith.constant dense<2147483647> : vector<256xi32>
    %reduce_min3A_21 = vector.multi_reduction <minsi>, %select_n3A, %reduce_min3A [1] : vector<256x64xi32> to vector<256xi32>
    %broadcast_in_dim3A_22 = vector.shape_cast %reduce_min3A_21 : vector<256xi32> to vector<256x1xi32>
    %eq3A_23 = vector.broadcast %broadcast_in_dim3A_22 : vector<256x1xi32> to vector<256x64xi32>
    %eq3A_24 = arith.cmpi eq, %iota3A, %eq3A_23 : vector<256x64xi32>
    %jit3A_25 = arith.constant 0xFF800000 : f32
    %broadcast_in_dim3A_26 = vector.broadcast %jit3A_25 : f32 to vector<256x64xf32>
    %select_n3A_27 = arith.select %eq3A_24, %broadcast_in_dim3A_26, %div3A_14 : vector<256x64xi1>, vector<256x64xf32>
    %reduce_max3A_28 = arith.constant dense<0xFF800000> : vector<256xf32>
    %reduce_max3A_29 = vector.multi_reduction <maximumf>, %select_n3A_27, %reduce_max3A_28 [1] : vector<256x64xf32> to vector<256xf32>
    %broadcast_in_dim3A_30 = vector.shape_cast %reduce_max3A_29 : vector<256xf32> to vector<256x1xf32>
    %eq3A_31 = vector.broadcast %broadcast_in_dim3A_30 : vector<256x1xf32> to vector<256x64xf32>
    %eq3A_32 = arith.cmpf oeq, %select_n3A_27, %eq3A_31 : vector<256x64xf32>
    %jit3A_33 = arith.constant 64 : i32
    %broadcast_in_dim3A_34 = vector.broadcast %jit3A_33 : i32 to vector<256x64xi32>
    %select_n3A_35 = arith.select %eq3A_32, %iota3A, %broadcast_in_dim3A_34 : vector<256x64xi1>, vector<256x64xi32>
    %reduce_min3A_36 = arith.constant dense<2147483647> : vector<256xi32>
    %reduce_min3A_37 = vector.multi_reduction <minsi>, %select_n3A_35, %reduce_min3A_36 [1] : vector<256x64xi32> to vector<256xi32>
    %broadcast_in_dim3A_38 = vector.shape_cast %reduce_min3A_37 : vector<256xi32> to vector<256x1xi32>
    %mul3A = arith.constant 2.000000e-01 : f32
    %mul3A_39 = vector.broadcast %mul3A : f32 to vector<256x1xf32>
    %mul3A_40 = arith.mulf %mul3A_39, %broadcast_in_dim3A_17 : vector<256x1xf32>
    %lt3A = arith.cmpf olt, %broadcast_in_dim3A_30, %mul3A_40 : vector<256x1xf32>
    %jit3A_41 = arith.constant 0.000000e+00 : f32
    %broadcast_in_dim3A_42 = vector.broadcast %jit3A_41 : f32 to vector<256x1xf32>
    %select_n3A_43 = arith.select %lt3A, %broadcast_in_dim3A_42, %broadcast_in_dim3A_30 : vector<256x1xi1>, vector<256x1xf32>
    %add3A = arith.addf %broadcast_in_dim3A_17, %select_n3A_43 : vector<256x1xf32>
    %div3A_44 = arith.divf %broadcast_in_dim3A_17, %add3A : vector<256x1xf32>
    %div3A_45 = arith.divf %broadcast_in_dim3A_30, %add3A : vector<256x1xf32>
    %jit3A_46 = arith.constant 0.000000e+00 : f32
    %broadcast_in_dim3A_47 = vector.broadcast %jit3A_46 : f32 to vector<256x1xf32>
    %select_n3A_48 = arith.select %lt3A, %broadcast_in_dim3A_47, %div3A_45 : vector<256x1xi1>, vector<256x1xf32>
    %eq3A_49 = vector.broadcast %broadcast_in_dim3A_22 : vector<256x1xi32> to vector<256x64xi32>
    %eq3A_50 = arith.cmpi eq, %iota3A, %eq3A_49 : vector<256x64xi32>
    %convert_element_type3A_51 = arith.extui %eq3A_50 : vector<256x64xi1> to vector<256x64xi32>
    %convert_element_type3A_52 = arith.sitofp %convert_element_type3A_51 : vector<256x64xi32> to vector<256x64xf32>
    %eq3A_53 = vector.broadcast %broadcast_in_dim3A_38 : vector<256x1xi32> to vector<256x64xi32>
    %eq3A_54 = arith.cmpi eq, %iota3A, %eq3A_53 : vector<256x64xi32>
    %convert_element_type3A_55 = arith.extui %eq3A_54 : vector<256x64xi1> to vector<256x64xi32>
    %convert_element_type3A_56 = arith.sitofp %convert_element_type3A_55 : vector<256x64xi32> to vector<256x64xf32>
    %add3A_57 = arith.addf %convert_element_type3A_52, %convert_element_type3A_56 : vector<256x64xf32>
    %iota3A_58 = tpu.iota {dimensions = array<i32: 0>} : vector<256x256xi32>
    %iota3A_59 = tpu.iota {dimensions = array<i32: 1>} : vector<256x256xi32>
    %gt3A = arith.cmpi sgt, %iota3A_58, %iota3A_59 : vector<256x256xi32>
    %convert_element_type3A_60 = arith.extui %gt3A : vector<256x256xi1> to vector<256x256xi32>
    %convert_element_type3A_61 = arith.sitofp %convert_element_type3A_60 : vector<256x256xi32> to vector<256x256xf32>
    %dot_general3A_62 = arith.constant dense<0.000000e+00> : vector<256x64xf32>
    %dot_general3A_63 = tpu.matmul %convert_element_type3A_61, %add3A_57, %dot_general3A_62 {dimension_numbers = #tpu.dot_dimension_numbers<[1], [0], [0], [1], [0, 0, 1, 1], [], []>, transpose_lhs_hint = false} : vector<256x256xf32>, vector<256x64xf32>, vector<256x64xf32> -> vector<256x64xf32>
    %get3A_64 = arith.constant 0 : index
    %get3A_65 = arith.constant 0 : index
    %get3A_66 = vector.load %arg6[%get3A_64, %get3A_65] : memref<8x64xf32, #tpu.memory_space<vmem>>, vector<1x64xf32>
    %add3A_67 = vector.broadcast %get3A_66 : vector<1x64xf32> to vector<256x64xf32>
    %add3A_68 = arith.addf %add3A_67, %dot_general3A_63 : vector<256x64xf32>
    %mul3A_69 = arith.mulf %add3A_68, %convert_element_type3A_52 : vector<256x64xf32>
    %reduce_sum3A_70 = arith.constant dense<0.000000e+00> : vector<256xf32>
    %reduce_sum3A_71 = vector.multi_reduction <add>, %mul3A_69, %reduce_sum3A_70 [1] : vector<256x64xf32> to vector<256xf32>
    %broadcast_in_dim3A_72 = vector.shape_cast %reduce_sum3A_71 : vector<256xf32> to vector<256x1xf32>
    %mul3A_73 = arith.mulf %add3A_68, %convert_element_type3A_56 : vector<256x64xf32>
    %reduce_sum3A_74 = arith.constant dense<0.000000e+00> : vector<256xf32>
    %reduce_sum3A_75 = vector.multi_reduction <add>, %mul3A_73, %reduce_sum3A_74 [1] : vector<256x64xf32> to vector<256xf32>
    %broadcast_in_dim3A_76 = vector.shape_cast %reduce_sum3A_75 : vector<256xf32> to vector<256x1xf32>
    %get3A_77 = arith.constant 0 : index
    %get3A_78 = arith.constant 0 : index
    %get3A_79 = vector.load %arg6[%get3A_77, %get3A_78] : memref<8x64xf32, #tpu.memory_space<vmem>>, vector<1x64xf32>
    %reduce_sum3A_80 = arith.constant dense<0.000000e+00> : vector<64xf32>
    %reduce_sum3A_81 = vector.multi_reduction <add>, %add3A_57, %reduce_sum3A_80 [0] : vector<256x64xf32> to vector<64xf32>
    %broadcast_in_dim3A_82 = vector.shape_cast %reduce_sum3A_81 : vector<64xf32> to vector<1x64xf32>
    %add3A_83 = arith.addf %get3A_79, %broadcast_in_dim3A_82 : vector<1x64xf32>
    %swap3A_84 = arith.constant 0 : index
    %swap3A_85 = arith.constant 0 : index
    %swap3A_86 = vector.load %arg6[%swap3A_84, %swap3A_85] : memref<8x64xf32, #tpu.memory_space<vmem>>, vector<1x64xf32>
    tpu.vector_store %arg6[%swap3A_84, %swap3A_85], %add3A_83 {strides = array<i32>} : memref<8x64xf32, #tpu.memory_space<vmem>>, vector<1x64xf32>,
    %swap3A_87 = arith.constant 0 : index
    %swap3A_88 = arith.constant 0 : index
    %swap3A_89 = vector.load %arg5[%swap3A_87, %swap3A_88] : memref<8x64xf32, #tpu.memory_space<vmem>>, vector<1x64xf32>
    tpu.vector_store %arg5[%swap3A_87, %swap3A_88], %add3A_83 {strides = array<i32>} : memref<8x64xf32, #tpu.memory_space<vmem>>, vector<1x64xf32>,
    %iota3A_90 = tpu.iota {dimensions = array<i32: 1>} : vector<256x128xi32>
    %eq3A_91 = arith.constant 0 : i32
    %eq3A_92 = vector.broadcast %eq3A_91 : i32 to vector<256x128xi32>
    %eq3A_93 = arith.cmpi eq, %iota3A_90, %eq3A_92 : vector<256x128xi32>
    %convert_element_type3A_94 = arith.extui %eq3A_93 : vector<256x128xi1> to vector<256x128xi32>
    %convert_element_type3A_95 = arith.sitofp %convert_element_type3A_94 : vector<256x128xi32> to vector<256x128xf32>
    %mul3A_96 = vector.broadcast %div3A_44 : vector<256x1xf32> to vector<256x128xf32>
    %mul3A_97 = arith.mulf %mul3A_96, %convert_element_type3A_95 : vector<256x128xf32>
    %eq3A_98 = arith.constant 1 : i32
    %eq3A_99 = vector.broadcast %eq3A_98 : i32 to vector<256x128xi32>
    %eq3A_100 = arith.cmpi eq, %iota3A_90, %eq3A_99 : vector<256x128xi32>
    %convert_element_type3A_101 = arith.extui %eq3A_100 : vector<256x128xi1> to vector<256x128xi32>
    %convert_element_type3A_102 = arith.sitofp %convert_element_type3A_101 : vector<256x128xi32> to vector<256x128xf32>
    %mul3A_103 = vector.broadcast %select_n3A_48 : vector<256x1xf32> to vector<256x128xf32>
    %mul3A_104 = arith.mulf %mul3A_103, %convert_element_type3A_102 : vector<256x128xf32>
    %add3A_105 = arith.addf %mul3A_97, %mul3A_104 : vector<256x128xf32>
    %convert_element_type3A_106 = arith.sitofp %broadcast_in_dim3A_22 : vector<256x1xi32> to vector<256x1xf32>
    %eq3A_107 = arith.constant 2 : i32
    %eq3A_108 = vector.broadcast %eq3A_107 : i32 to vector<256x128xi32>
    %eq3A_109 = arith.cmpi eq, %iota3A_90, %eq3A_108 : vector<256x128xi32>
    %convert_element_type3A_110 = arith.extui %eq3A_109 : vector<256x128xi1> to vector<256x128xi32>
    %convert_element_type3A_111 = arith.sitofp %convert_element_type3A_110 : vector<256x128xi32> to vector<256x128xf32>
    %mul3A_112 = vector.broadcast %convert_element_type3A_106 : vector<256x1xf32> to vector<256x128xf32>
    %mul3A_113 = arith.mulf %mul3A_112, %convert_element_type3A_111 : vector<256x128xf32>
    %add3A_114 = arith.addf %add3A_105, %mul3A_113 : vector<256x128xf32>
    %convert_element_type3A_115 = arith.sitofp %broadcast_in_dim3A_38 : vector<256x1xi32> to vector<256x1xf32>
    %eq3A_116 = arith.constant 3 : i32
    %eq3A_117 = vector.broadcast %eq3A_116 : i32 to vector<256x128xi32>
    %eq3A_118 = arith.cmpi eq, %iota3A_90, %eq3A_117 : vector<256x128xi32>
    %convert_element_type3A_119 = arith.extui %eq3A_118 : vector<256x128xi1> to vector<256x128xi32>
    %convert_element_type3A_120 = arith.sitofp %convert_element_type3A_119 : vector<256x128xi32> to vector<256x128xf32>
    %mul3A_121 = vector.broadcast %convert_element_type3A_115 : vector<256x1xf32> to vector<256x128xf32>
    %mul3A_122 = arith.mulf %mul3A_121, %convert_element_type3A_120 : vector<256x128xf32>
    %add3A_123 = arith.addf %add3A_114, %mul3A_122 : vector<256x128xf32>
    %eq3A_124 = arith.constant 4 : i32
    %eq3A_125 = vector.broadcast %eq3A_124 : i32 to vector<256x128xi32>
    %eq3A_126 = arith.cmpi eq, %iota3A_90, %eq3A_125 : vector<256x128xi32>
    %convert_element_type3A_127 = arith.extui %eq3A_126 : vector<256x128xi1> to vector<256x128xi32>
    %convert_element_type3A_128 = arith.sitofp %convert_element_type3A_127 : vector<256x128xi32> to vector<256x128xf32>
    %mul3A_129 = vector.broadcast %broadcast_in_dim3A_72 : vector<256x1xf32> to vector<256x128xf32>
    %mul3A_130 = arith.mulf %mul3A_129, %convert_element_type3A_128 : vector<256x128xf32>
    %add3A_131 = arith.addf %add3A_123, %mul3A_130 : vector<256x128xf32>
    %eq3A_132 = arith.constant 5 : i32
    %eq3A_133 = vector.broadcast %eq3A_132 : i32 to vector<256x128xi32>
    %eq3A_134 = arith.cmpi eq, %iota3A_90, %eq3A_133 : vector<256x128xi32>
    %convert_element_type3A_135 = arith.extui %eq3A_134 : vector<256x128xi1> to vector<256x128xi32>
    %convert_element_type3A_136 = arith.sitofp %convert_element_type3A_135 : vector<256x128xi32> to vector<256x128xf32>
    %mul3A_137 = vector.broadcast %broadcast_in_dim3A_76 : vector<256x1xf32> to vector<256x128xf32>
    %mul3A_138 = arith.mulf %mul3A_137, %convert_element_type3A_136 : vector<256x128xf32>
    %add3A_139 = arith.addf %add3A_131, %mul3A_138 : vector<256x128xf32>
    %swap3A_140 = arith.constant 0 : index
    %swap3A_141 = arith.constant 0 : index
    %swap3A_142 = vector.load %arg4[%swap3A_140, %swap3A_141] : memref<256x128xf32, #tpu.memory_space<vmem>>, vector<256x128xf32>
    tpu.vector_store %arg4[%swap3A_140, %swap3A_141], %add3A_139 {strides = array<i32>} : memref<256x128xf32, #tpu.memory_space<vmem>>, vector<256x128xf32>,
    return
  }
  func.func @transform_0(%arg0: i32) -> (i32, i32) {
    %c0_i32 = arith.constant 0 : i32
    %c0_i32_0 = arith.constant 0 : i32
    return %arg0, %c0_i32 : i32, i32
  }
  func.func @transform_1(%arg0: i32) -> (i32, i32) {
    %c0_i32 = arith.constant 0 : i32
    %c0_i32_0 = arith.constant 0 : i32
    %c0_i32_1 = arith.constant 0 : i32
    return %c0_i32, %c0_i32_0 : i32, i32
  }
  func.func @transform_2(%arg0: i32) -> (i32, i32) {
    %c0_i32 = arith.constant 0 : i32
    %c0_i32_0 = arith.constant 0 : i32
    return %arg0, %c0_i32 : i32, i32
  }
  func.func @transform_3(%arg0: i32) -> (i32, i32) {
    %c0_i32 = arith.constant 0 : i32
    %c0_i32_0 = arith.constant 0 : i32
    return %arg0, %c0_i32 : i32, i32
  }
  func.func @transform_4(%arg0: i32) -> (i32, i32) {
    %c0_i32 = arith.constant 0 : i32
    %c0_i32_0 = arith.constant 0 : i32
    %c0_i32_1 = arith.constant 0 : i32
    return %c0_i32, %c0_i32_0 : i32, i32
  }
}

module attributes {stable_mosaic.version = 14 : i64} {
  func.func @_ffn_body(%arg0: i32, %arg1: memref<96xi32, #tpu.memory_space<smem>>, %arg2: memref<96xi32, #tpu.memory_space<smem>>, %arg3: memref<96xi32, #tpu.memory_space<smem>>, %arg4: memref<128x1024xf32, #tpu.memory_space<vmem>>, %arg5: memref<1x1024x1024xf32, #tpu.memory_space<vmem>>, %arg6: memref<1x1024x1024xf32, #tpu.memory_space<vmem>>, %arg7: memref<1x1024x1024xf32, #tpu.memory_space<vmem>>, %arg8: memref<128x1024xf32, #tpu.memory_space<vmem>>) attributes {dimension_semantics = [#tpu.dimension_semantics<arbitrary>], iteration_bounds = array<i64: 96>, scalar_prefetch = 3 : i64, scratch_operands = 0 : i64, tpu.core_type = #tpu.core_type<tc>, window_params = [{transform_indices = @transform_0, window_bounds = array<i64: 128, 1024>}, {transform_indices = @transform_1, window_bounds = array<i64: 1, 1024, 1024>}, {transform_indices = @transform_2, window_bounds = array<i64: 1, 1024, 1024>}, {transform_indices = @transform_3, window_bounds = array<i64: 1, 1024, 1024>}, {transform_indices = @transform_4, window_bounds = array<i64: 128, 1024>}]} {
    %get3A = arith.index_cast %arg0 : i32 to index
    %get3A_0 = memref.load %arg3[%get3A] : memref<96xi32, #tpu.memory_space<smem>>
    %eq3A = arith.constant 1 : i32
    %eq3A_1 = arith.cmpi eq, %get3A_0, %eq3A : i32
    %convert_element_type3A = arith.extui %eq3A_1 : i1 to i32
    %cond3A = arith.constant 0 : i32
    %cond3A_2 = arith.cmpi ne, %convert_element_type3A, %cond3A : i32
    scf.if %cond3A_2 {
      %get3A_3 = arith.constant 0 : index
      %get3A_4 = arith.constant 0 : index
      %get3A_5 = vector.load %arg4[%get3A_3, %get3A_4] : memref<128x1024xf32, #tpu.memory_space<vmem>>, vector<128x1024xf32>
      %get3A_6 = arith.constant 0 : index
      %get3A_7 = arith.constant 0 : index
      %get3A_8 = arith.constant 0 : index
      %get3A_9 = vector.load %arg5[%get3A_6, %get3A_7, %get3A_8] : memref<1x1024x1024xf32, #tpu.memory_space<vmem>>, vector<1x1024x1024xf32>
      %get3A_10 = vector.shape_cast %get3A_9 : vector<1x1024x1024xf32> to vector<1024x1024xf32>
      %dot_general3A = arith.constant dense<0.000000e+00> : vector<128x1024xf32>
      %dot_general3A_11 = tpu.matmul %get3A_5, %get3A_10, %dot_general3A {dimension_numbers = #tpu.dot_dimension_numbers<[1], [1], [0], [0], [0, 0, 1, 0], [], []>, transpose_lhs_hint = false} : vector<128x1024xf32>, vector<1024x1024xf32>, vector<128x1024xf32> -> vector<128x1024xf32>
      %get3A_12 = arith.constant 0 : index
      %get3A_13 = arith.constant 0 : index
      %get3A_14 = arith.constant 0 : index
      %get3A_15 = vector.load %arg6[%get3A_12, %get3A_13, %get3A_14] : memref<1x1024x1024xf32, #tpu.memory_space<vmem>>, vector<1x1024x1024xf32>
      %get3A_16 = vector.shape_cast %get3A_15 : vector<1x1024x1024xf32> to vector<1024x1024xf32>
      %dot_general3A_17 = arith.constant dense<0.000000e+00> : vector<128x1024xf32>
      %dot_general3A_18 = tpu.matmul %get3A_5, %get3A_16, %dot_general3A_17 {dimension_numbers = #tpu.dot_dimension_numbers<[1], [1], [0], [0], [0, 0, 1, 0], [], []>, transpose_lhs_hint = false} : vector<128x1024xf32>, vector<1024x1024xf32>, vector<128x1024xf32> -> vector<128x1024xf32>
      %logistic3A = arith.negf %dot_general3A_11 : vector<128x1024xf32>
      %logistic3A_19 = math.exp %logistic3A : vector<128x1024xf32>
      %logistic3A_20 = arith.constant 1.000000e+00 : f32
      %logistic3A_21 = vector.broadcast %logistic3A_20 : f32 to vector<128x1024xf32>
      %logistic3A_22 = arith.addf %logistic3A_21, %logistic3A_19 : vector<128x1024xf32>
      %logistic3A_23 = arith.divf %logistic3A_21, %logistic3A_22 : vector<128x1024xf32>
      %mul3A = arith.mulf %dot_general3A_11, %logistic3A_23 : vector<128x1024xf32>
      %mul3A_24 = arith.mulf %mul3A, %dot_general3A_18 : vector<128x1024xf32>
      %get3A_25 = arith.constant 0 : index
      %get3A_26 = arith.constant 0 : index
      %get3A_27 = arith.constant 0 : index
      %get3A_28 = vector.load %arg7[%get3A_25, %get3A_26, %get3A_27] : memref<1x1024x1024xf32, #tpu.memory_space<vmem>>, vector<1x1024x1024xf32>
      %get3A_29 = vector.shape_cast %get3A_28 : vector<1x1024x1024xf32> to vector<1024x1024xf32>
      %dot_general3A_30 = arith.constant dense<0.000000e+00> : vector<128x1024xf32>
      %dot_general3A_31 = tpu.matmul %mul3A_24, %get3A_29, %dot_general3A_30 {dimension_numbers = #tpu.dot_dimension_numbers<[1], [1], [0], [0], [0, 0, 1, 0], [], []>, transpose_lhs_hint = false} : vector<128x1024xf32>, vector<1024x1024xf32>, vector<128x1024xf32> -> vector<128x1024xf32>
      %swap3A = arith.constant 0 : index
      %swap3A_32 = arith.constant 0 : index
      %swap3A_33 = vector.load %arg8[%swap3A, %swap3A_32] : memref<128x1024xf32, #tpu.memory_space<vmem>>, vector<128x1024xf32>
      tpu.vector_store %arg8[%swap3A, %swap3A_32], %dot_general3A_31 {strides = array<i32>} : memref<128x1024xf32, #tpu.memory_space<vmem>>, vector<128x1024xf32>,
    } else {
    }
    return
  }
  func.func @transform_0(%arg0: i32, %arg1: memref<96xi32, #tpu.memory_space<smem>>, %arg2: memref<96xi32, #tpu.memory_space<smem>>, %arg3: memref<96xi32, #tpu.memory_space<smem>>) -> (i32, i32) {
    %get3A = arith.index_cast %arg0 : i32 to index
    %get3A_0 = memref.load %arg2[%get3A] : memref<96xi32, #tpu.memory_space<smem>>
    %c0_i32 = arith.constant 0 : i32
    %c0_i32_1 = arith.constant 0 : i32
    return %get3A_0, %c0_i32 : i32, i32
  }
  func.func @transform_1(%arg0: i32, %arg1: memref<96xi32, #tpu.memory_space<smem>>, %arg2: memref<96xi32, #tpu.memory_space<smem>>, %arg3: memref<96xi32, #tpu.memory_space<smem>>) -> (i32, i32, i32) {
    %get3A = arith.index_cast %arg0 : i32 to index
    %get3A_0 = memref.load %arg1[%get3A] : memref<96xi32, #tpu.memory_space<smem>>
    %c0_i32 = arith.constant 0 : i32
    %c0_i32_1 = arith.constant 0 : i32
    %c0_i32_2 = arith.constant 0 : i32
    return %get3A_0, %c0_i32, %c0_i32_1 : i32, i32, i32
  }
  func.func @transform_2(%arg0: i32, %arg1: memref<96xi32, #tpu.memory_space<smem>>, %arg2: memref<96xi32, #tpu.memory_space<smem>>, %arg3: memref<96xi32, #tpu.memory_space<smem>>) -> (i32, i32, i32) {
    %get3A = arith.index_cast %arg0 : i32 to index
    %get3A_0 = memref.load %arg1[%get3A] : memref<96xi32, #tpu.memory_space<smem>>
    %c0_i32 = arith.constant 0 : i32
    %c0_i32_1 = arith.constant 0 : i32
    %c0_i32_2 = arith.constant 0 : i32
    return %get3A_0, %c0_i32, %c0_i32_1 : i32, i32, i32
  }
  func.func @transform_3(%arg0: i32, %arg1: memref<96xi32, #tpu.memory_space<smem>>, %arg2: memref<96xi32, #tpu.memory_space<smem>>, %arg3: memref<96xi32, #tpu.memory_space<smem>>) -> (i32, i32, i32) {
    %get3A = arith.index_cast %arg0 : i32 to index
    %get3A_0 = memref.load %arg1[%get3A] : memref<96xi32, #tpu.memory_space<smem>>
    %c0_i32 = arith.constant 0 : i32
    %c0_i32_1 = arith.constant 0 : i32
    %c0_i32_2 = arith.constant 0 : i32
    return %get3A_0, %c0_i32, %c0_i32_1 : i32, i32, i32
  }
  func.func @transform_4(%arg0: i32, %arg1: memref<96xi32, #tpu.memory_space<smem>>, %arg2: memref<96xi32, #tpu.memory_space<smem>>, %arg3: memref<96xi32, #tpu.memory_space<smem>>) -> (i32, i32) {
    %get3A = arith.index_cast %arg0 : i32 to index
    %get3A_0 = memref.load %arg2[%get3A] : memref<96xi32, #tpu.memory_space<smem>>
    %c0_i32 = arith.constant 0 : i32
    %c0_i32_1 = arith.constant 0 : i32
    return %get3A_0, %c0_i32 : i32, i32
  }
}

module attributes {stable_mosaic.version = 14 : i64} {
  func.func @_combine_body(%arg0: i32, %arg1: memref<256x1024xf32, #tpu.memory_space<vmem>>, %arg2: memref<256x1024xf32, #tpu.memory_space<vmem>>, %arg3: memref<256x2xf32, #tpu.memory_space<vmem>>, %arg4: memref<256x1024xf32, #tpu.memory_space<vmem>>) attributes {dimension_semantics = [#tpu.dimension_semantics<arbitrary>], iteration_bounds = array<i64: 8>, scalar_prefetch = 0 : i64, scratch_operands = 0 : i64, tpu.core_type = #tpu.core_type<tc>, window_params = [{transform_indices = @transform_0, window_bounds = array<i64: 256, 1024>}, {transform_indices = @transform_1, window_bounds = array<i64: 256, 1024>}, {transform_indices = @transform_2, window_bounds = array<i64: 256, 2>}, {transform_indices = @transform_3, window_bounds = array<i64: 256, 1024>}]} {
    %get3A = arith.constant 0 : index
    %get3A_0 = arith.constant 0 : index
    %get3A_1 = vector.load %arg1[%get3A, %get3A_0] : memref<256x1024xf32, #tpu.memory_space<vmem>>, vector<256x1024xf32>
    %get3A_2 = arith.constant 0 : index
    %get3A_3 = arith.constant 0 : index
    %get3A_4 = vector.load %arg3[%get3A_2, %get3A_3] : memref<256x2xf32, #tpu.memory_space<vmem>>, vector<256x1xf32>
    %mul3A = vector.broadcast %get3A_4 : vector<256x1xf32> to vector<256x1024xf32>
    %mul3A_5 = arith.mulf %get3A_1, %mul3A : vector<256x1024xf32>
    %get3A_6 = arith.constant 0 : index
    %get3A_7 = arith.constant 0 : index
    %get3A_8 = vector.load %arg2[%get3A_6, %get3A_7] : memref<256x1024xf32, #tpu.memory_space<vmem>>, vector<256x1024xf32>
    %get3A_9 = arith.constant 0 : index
    %get3A_10 = arith.constant 1 : index
    %get3A_11 = vector.load %arg3[%get3A_9, %get3A_10] : memref<256x2xf32, #tpu.memory_space<vmem>>, vector<256x1xf32>
    %mul3A_12 = vector.broadcast %get3A_11 : vector<256x1xf32> to vector<256x1024xf32>
    %mul3A_13 = arith.mulf %get3A_8, %mul3A_12 : vector<256x1024xf32>
    %add3A = arith.addf %mul3A_5, %mul3A_13 : vector<256x1024xf32>
    %swap3A = arith.constant 0 : index
    %swap3A_14 = arith.constant 0 : index
    %swap3A_15 = vector.load %arg4[%swap3A, %swap3A_14] : memref<256x1024xf32, #tpu.memory_space<vmem>>, vector<256x1024xf32>
    tpu.vector_store %arg4[%swap3A, %swap3A_14], %add3A {strides = array<i32>} : memref<256x1024xf32, #tpu.memory_space<vmem>>, vector<256x1024xf32>,
    return
  }
  func.func @transform_0(%arg0: i32) -> (i32, i32) {
    %c0_i32 = arith.constant 0 : i32
    %c0_i32_0 = arith.constant 0 : i32
    return %arg0, %c0_i32 : i32, i32
  }
  func.func @transform_1(%arg0: i32) -> (i32, i32) {
    %add3A = arith.constant 8 : i32
    %add3A_0 = arith.addi %arg0, %add3A : i32
    %c0_i32 = arith.constant 0 : i32
    %c0_i32_1 = arith.constant 0 : i32
    return %add3A_0, %c0_i32 : i32, i32
  }
  func.func @transform_2(%arg0: i32) -> (i32, i32) {
    %c0_i32 = arith.constant 0 : i32
    %c0_i32_0 = arith.constant 0 : i32
    return %arg0, %c0_i32 : i32, i32
  }
  func.func @transform_3(%arg0: i32) -> (i32, i32) {
    %c0_i32 = arith.constant 0 : i32
    %c0_i32_0 = arith.constant 0 : i32
    return %arg0, %c0_i32 : i32, i32
  }
}

</mosaic_0001>

<sc_bundles>
// kernel: kernel.10.cloned.1.call-start
scs
__scs_entry_jumppad:
0x0: {  	(pc) =	sbr.rel $0x88, $3  }
0x1: {  	(tag) =	ssettag $0x0;
	lr =	simm.s32 $0x1  }
0x2: {  	[smem:$0x3F9C] =	sst lr;
	_ =	strace $0xD0000000  }
0x3: {  	_ = 	snop  }
0x4: {  	_ = 	snop  }
0x5: {  	_ = 	snop  }
0x6: {  	_ = 	snop  }
0x7: {  	_ = 	snop  }
__scs_overlays_trampoline_lowered:
0x8: {  	[smem:$0x3FAB] =	sst s0  }
0x9: {  	[smem:$0x3FAC] =	sst s1  }
0xa: {  	[smem:$0x3FAD] =	sst s2  }
0xb: {  	[smem:$0x3FAE] =	sst s3  }
0xc: {  	[smem:$0x3FAF] =	sst s4  }
0xd: {  	[smem:$0x3FB0] =	sst s5  }
0xe: {  	[smem:$0x3FB1] =	sst s6  }
0xf: {  	[smem:$0x3FB2] =	sst s7  }
0x10: {  	[smem:$0x3FB3] =	sst s8  }
0x11: {  	[smem:$0x3FB4] =	sst s9;
	s0 =	simm.s32 @!p0 $0x0  }
0x12: {  	s1 =	sld [smem:$0x3F9A];
	s0 =	simm.s32 @p0 $0x1  }
0x13: {  	[smem:$0x3FB5] =	sst s0;
	s0 =	simm.s32 @!p1 $0x0  }
0x14: {  	s2 =	sld [smem:$0x3F99];
	s0 =	simm.s32 @p1 $0x1  }
0x15: {  	[smem:$0x3FB6] =	sst s0;
	s0 =	simm.s32 @!p2 $0x0  }
0x16: {  	s3 =	sld [smem:$0x3FDB];
	s0 =	simm.s32 @p2 $0x1  }
0x17: {  	s4 =	simm.s32 $0x1BF5;
	[smem:$0x3FB8] =	sst s0  }
0x18: {  	s0 =	sld [smem:$0x3F9B];
	_ =	swait.ge [sflag:s4], $0x0  }
0x19: {  	s7 =	sld [smem:$0x3F9C]  }
0x1a: {  	s8 =	sadd.s32 $0xFFFFE003, lr  }
0x1b: {  	s9 =	sadd.s32 $0xFFFFFEF7, lr;
	s5 =	simm.s32 $0xFFFFFFFF;
	p2 =	slt.u32 s8, $0xFFFFF086  }
0x1c: {  	p1 =	slt.u32 s9, $0xF7A;
	s5 =	simm.s32 @!p2 $0x0  }
0x1d: {  	s5 =	simm.s32 @p1 $0x1;
	p0 =	seq.s32 s7, s2  }
0x1e: {  	s7 =	smul.u32 @!p0 $0xF7A, s2;
	p2 =	seq.s32 @!p0 s5, $0x0  }
0x1f: {  	s9 =	smul.u32 $0xF7A, s1;
	s8 =	simm.s32 @!p0 $0x1BF5;
	p2 =	por !p2, p0  }
0x20: {  	[sflag:s8] =	ssyncset.s32 @!p0 $0xFFFFF086;
	s6 =	sadd.s32 @!p0 s3, s7;
	s7 =	simm.s32 @!p0 $0x108  }
0x21: {  	s3 =	sadd.s32 s3, s9;
	s6 =	sadd.s32 @!p0 $0x88, s6;
	s7 =	simm.s32 @p2 $0x1082  }
0x22: {  	[simem:s7], [sflag:s8] =	dma.local @!p0 [hbm:s6], $0xF7A  }
0x23: {  	s9 =	sor.u32 $0xD0000000, s2;
	s6 =	simm.s32 $0x108;
	_ =	swait.ge @!p0 [sflag:s8], $0x0  }
0x24: {  	s3 =	sadd.s32 $0x88, s3;
	s6 =	simm.s32 @!p1 $0x1082;
	[sflag:s4] =	ssyncset.s32 $0xFFFFF086  }
0x25: {  	[simem:s6], [sflag:s4] =	dma.local [hbm:s3], $0xF7A  }
0x26: {  	[smem:$0x3F9C] =	sst s1;
	(tag) =	ssettag s2;
	_ =	strace s9  }
0x27: {  	s1 =	sld [smem:$0x3FAC]  }
0x28: {  	s2 =	sld [smem:$0x3FAD]  }
0x29: {  	s4 =	sld [smem:$0x3FAF]  }
0x2a: {  	p0 =	seq.s32 s5, $0x0;
	s5 =	sld [smem:$0x3FB0]  }
0x2b: {  	s6 =	sld [smem:$0x3FB1]  }
0x2c: {  	s7 =	sld [smem:$0x3FB2]  }
0x2d: {  	s3 =	simm.s32 $0x108;
	s8 =	sld [smem:$0x3FB3]  }
0x2e: {  	s3 =	simm.s32 @!p0 $0x1082;
	s9 =	sld [smem:$0x3FB4]  }
0x2f: {  	lr =	sadd.s32 s0, s3;
	s0 =	sld [smem:$0x3FAB]  }
0x30: {  	s3 =	sld [smem:$0x3FAE]  }
0x31: {  	[smem:$0x3FB7] =	sst s10  }
0x32: {  	s10 =	sld [smem:$0x3FB5];
	_ =	sdelay $0x3  }
0x33: {  	p0 =	seq.s32 s10, $0x1;
	s10 =	sld [smem:$0x3FB7];
	_ =	sdelay $0x3  }
0x34: {  	[smem:$0x3FB7] =	sst s10  }
0x35: {  	s10 =	sld [smem:$0x3FB6];
	_ =	sdelay $0x3  }
0x36: {  	p1 =	seq.s32 s10, $0x1;
	s10 =	sld [smem:$0x3FB7];
	_ =	sdelay $0x3  }
0x37: {  	[smem:$0x3FB7] =	sst s10  }
0x38: {  	s10 =	sld [smem:$0x3FB8]  }
0x39: {  	_ = 	snop;
	(pc) =	sbr.ind lr, $3  }
0x3a: {  	_ = 	snop  }
0x3b: {  	_ = 	snop  }
0x3c: {  	p2 =	seq.s32 s10, $0x1;
	s10 =	sld [smem:$0x3FB7]  }
0x3d: {  	_ =	shalt  }
0x3e: {  	_ =	shalt  }
0x3f: {  	_ =	shalt  }
0x40: {  	_ =	shalt  }
0x41: {  	_ =	shalt  }
0x42: {  	_ =	shalt  }
0x43: {  	_ =	shalt  }
0x44: {  	_ =	shalt  }
0x45: {  	_ =	shalt  }
0x46: {  	_ =	shalt  }
0x47: {  	_ =	shalt  }
0x48: {  	_ =	shalt  }
0x49: {  	_ =	shalt  }
0x4a: {  	_ =	shalt  }
0x4b: {  	_ =	shalt  }
0x4c: {  	_ =	shalt  }
0x4d: {  	_ =	shalt  }
0x4e: {  	_ =	shalt  }
0x4f: {  	_ =	shalt  }
0x50: {  	_ =	shalt  }
0x51: {  	_ =	shalt  }
0x52: {  	_ =	shalt  }
0x53: {  	_ =	shalt  }
0x54: {  	_ =	shalt  }
0x55: {  	_ =	shalt  }
0x56: {  	_ =	shalt  }
0x57: {  	_ =	shalt  }
0x58: {  	_ =	shalt  }
0x59: {  	_ =	shalt  }
0x5a: {  	_ =	shalt  }
0x5b: {  	_ =	shalt  }
0x5c: {  	_ =	shalt  }
0x5d: {  	_ =	shalt  }
0x5e: {  	_ =	shalt  }
0x5f: {  	_ =	shalt  }
0x60: {  	_ =	shalt  }
0x61: {  	_ =	shalt  }
0x62: {  	_ =	shalt  }
0x63: {  	_ =	shalt  }
0x64: {  	_ =	shalt  }
0x65: {  	_ =	shalt  }
0x66: {  	_ =	shalt  }
0x67: {  	_ =	shalt  }
0x68: {  	_ =	shalt  }
0x69: {  	_ =	shalt  }
0x6a: {  	_ =	shalt  }
0x6b: {  	_ =	shalt  }
0x6c: {  	_ =	shalt  }
0x6d: {  	_ =	shalt  }
0x6e: {  	_ =	shalt  }
0x6f: {  	_ =	shalt  }
0x70: {  	_ =	shalt  }
0x71: {  	_ =	shalt  }
0x72: {  	_ =	shalt  }
0x73: {  	_ =	shalt  }
0x74: {  	_ =	shalt  }
0x75: {  	_ =	shalt  }
0x76: {  	_ =	shalt  }
0x77: {  	_ =	shalt  }
0x78: {  	_ =	shalt  }
0x79: {  	_ =	shalt  }
0x7a: {  	_ =	shalt  }
0x7b: {  	_ =	shalt  }
0x7c: {  	_ =	shalt  }
0x7d: {  	_ =	shalt  }
0x7e: {  	_ =	shalt  }
0x7f: {  	_ =	shalt  }
0x80: {  	_ =	shalt  }
0x81: {  	_ =	shalt  }
0x82: {  	_ =	shalt  }
0x83: {  	_ =	shalt  }
0x84: {  	_ =	shalt  }
0x85: {  	_ =	shalt  }
0x86: {  	_ =	shalt  }
0x87: {  	_ =	shalt  }
.Lfunc_end0:
.L_simem_size_0:
called_computation.2_lowered:
.L_overlay_start_0:
0x88: {  	s2 =	sld [smem:$0x3FD9]  }
0x89: {  	s3 =	sld [smem:$0x3FFE];
	_ =	sdelay $0x1  }
0x8a: {  	s1 =	srdreg.scid  }
0x8b: {  	s0 =	sand.u32 $0x1, s1  }
0x8c: {  	s16 =	sshll.u32 s0, $0xA;
	s2 =	sadd.s32 s3, s2  }
0x8d: {  	s2 =	sadd.s32 s2, s16  }
0x8e: {  	[smem:$0x3FC3] =	sst s2  }
0x8f: {  	_ = 	snop  }
0x90: {  	(tm) =	ssettm $0x1  }
0x91: {  	s17 =	sld [smem:$0x3FFB];
	_ =	sdelay $0x3  }
0x92: {  	_ =	strace s17  }
0x93: {  	s2 =	sld [smem:$0x3FFC];
	_ =	sdelay $0x3  }
0x94: {  	_ =	strace s2  }
0x95: {  	s2 =	sld [smem:$0x3FFD];
	_ =	sdelay $0x3  }
0x96: {  	_ =	strace s2  }
0x97: {  	_ =	strace $0x8FFFFFFF  }
0x98: {  	s18 =	sld [smem:$0x3FDB];
	_ =	sdelay $0x1  }
0x99: {  	s19 =	simm.s32 $_scs_section_size  }
0x9a: {  	s4 =	simm.s32 $_size__tile_overlayer_lowered;
	s5 =	simm.s32 $_tile_overlayer_lowered  }
0x9b: {  	s22 =	simm.s32 $0x1BFF;
	s21 =	sshll.u32 s5, $0x1;
	s2 =	sadd.s32 s19, s18  }
0x9c: {  	s6 =	simm.s32 $0x0;
	s20 =	sshll.u32 s4, $0x1;
	s4 =	sadd.s32 s21, s2  }
0x9d: {  	[timem:s6], [sflag:s22] =	dma.local [hbm:s4], s20  }
0x9e: {  	_ =	swait.ge [sflag:s22], s20  }
0x9f: {  	s3 =	ssub.s32 $0x0, s20;
	[sflag:s22] =	ssyncset.done $0x0  }
0xa0: {  	[sflag:s22] =	ssyncadd.s32 s3;
	_ =	sdelay $0x1  }
0xa1: {  	s23 =	simm.s32 $0x1B8B  }
0xa2: {  	_ =	swait.ge [sflag:s23], $0x1  }
0xa3: {  	[sflag:s23] =	ssyncset.done $0x0  }
0xa4: {  	s25 =	simm.s32 $0x1B8E;
	s24 =	sld [smem:$0x3FFE];
	[sflag:s23] =	ssyncadd.s32 $0xFFFFFFFF  }
0xa5: {  	s26 =	simm.s32 $execute0_lowered;
	[smem:$0x3FD2] =	sst s25  }
0xa6: {  	s4 =	sshll.u32 s26, $0x1;
	_ =	strace $0x8000004C;
	[dreg:$0x1] =	wrdreg $0xFFFFFFFF  }
0xa7: {  	s28 =	simm.s32 $_size_execute0_lowered;
	s2 =	sadd.s32 s2, s4;
	[dreg:$0x0] =	wrdreg $0x0  }
0xa8: {  	s4 =	sshll.u32 s28, $0x1;
	[dreg:$0x2] =	wrdreg s2  }
0xa9: {  	[dreg:$0x3] =	wrdreg s4  }
0xaa: {  	[dreg:$0x4] =	wrdreg $0xC0  }
0xab: {  	_ =	task [dreg:s6], $0x5FFFF  }
0xac: {  	[dreg:$0x1] =	wrdreg $0xFFFFFFFF  }
0xad: {  	[dreg:$0x0] =	wrdreg $0x60  }
0xae: {  	[dreg:$0x2] =	wrdreg s24  }
0xaf: {  	[dreg:$0x3] =	wrdreg $0x9  }
0xb0: {  	_ =	task.clear_ibuf [dreg:s6], $0x4FFFF;
	_ =	strace $0x9000004C  }
0xb1: {  	s29 =	simm.s32 $0x9;
	_ =	strace $0x8000004E  }
0xb2: {  	_ =	swait.ge [sflag:s29], $0x1  }
0xb3: {  	[sflag:s29] =	ssyncadd.s32 $0xFFFFFFFF  }
0xb4: {  	_ =	strace $0x9000004E  }
0xb5: {  	_ =	sfence  }
0xb6: {  	s30 =	sld [smem:$0x0];
	_ =	sdelay $0x2  }
0xb7: {  	s31 =	sshll.u32 s1, $0xD;
	s1 =	sshrl.u32 s1, $0x2  }
0xb8: {  	s3 =	sand.u32 $0x4000, s31;
	s1 =	sadd.s32 s1, s30  }
0xb9: {  	s0 =	sor.u32 s3, s0;
	s1 =	sshll.u32 s1, $0x11  }
0xba: {  	s0 =	sor.u32 s1, s0  }
0xbb: {  	s0 =	sadd.s32 $0x8F2B, s0  }
0xbc: {  	[sflag:s0] =	ssyncadd.remote.s32 $0x1  }
0xbd: {  	_ =	sfence.sel $0xFFFF  }
0xbe: {  	[dreg:$0x0] =	wrdreg $0xFFFFFFFF;
	(pc) =	sbr.abs _section_cstart, $3  }
0xbf: {  	[dreg:$0x1] =	wrdreg $0xFFFFFFFF  }
0xc0: {  	_ =	task.clear_ibuf [dreg:s6], $0x2FFFF;
	_ =	strace $0x9FFFFFFF  }
0xc1: {  	(tm) =	ssettm $0x7FFFFFFF  }
tec
execute0_lowered:
.L_overlay_start_1:
0x0: {  	(tag) =	ssettag $0x1  }
0x1: {  	s0 =	srdreg.scid;
	s2 =	stileid.u32  }
0x2: {  	s1 =	rddreg [dreg:$0x0];
	s26 =	simm.s32 $0x80;
	s8 =	simm.s32 $0x2  }
0x3: {  	s28 =	simm.s32 $0x3100;
	s29 =	simm.s32 $0x3900;
	s30 =	simm.s32 $0x4100  }
0x4: {  	s31 =	simm.s32 $0x4900;
	s9 =	simm.s32 $0x5900;
	s10 =	simm.s32 $0x6100  }
0x5: {  	s11 =	simm.s32 $0x6900;
	s12 =	simm.s32 $0x7100;
	s13 =	simm.s32 $0x7900  }
0x6: {  	s15 =	simm.s32 $0x9100;
	s16 =	simm.s32 $0x9900;
	s17 =	simm.s32 $0xA100  }
0x7: {  	s0 =	sand.u32 $0x1, s0;
	s3 =	sshll.u32 s2, $0x1;
	s2 =	simm.s32 $0x0  }
0x8: {  	s18 =	simm.s32 $0xA900;
	s3 =	sor.u32 s0, s3;
	[smem:$0x7FF] =	sst s2  }
0x9: {  	s0 =	ssub.s32 $0x2, s0;
	s4 =	sshll.u32 s3, $0x5;
	_ =	strace $0x8000004D  }
0xa: {  	s5 =	sshll.u32 s3, $0xD;
	s3 =	sadd.s32 $0x190200, s1;
	s4 =	sadd.s32 s4, s1  }
0xb: {  	s22 =	sshrl.u32 s0, $0x1;
	[dreg:$0x8] =	wrdreg s26;
	s21 =	sadd.s32 $0x8000, s4  }
0xc: {  	s6 =	sadd.s32 s5, s1;
	s4 =	sadd.s32 $0x8010, s4;
	[dreg:$0x2] =	wrdreg s21  }
0xd: {  	s26 =	simm.s32 $0x100;
	s23 =	sadd.s32 $0x8400, s6;
	[dreg:$0x3] =	wrdreg s4  }
0xe: {  	s0 =	ssub.s32 s0, s22;
	s24 =	sadd.s32 $0x9400, s6;
	[dreg:$0x4] =	wrdreg s23  }
0xf: {  	s5 =	sadd.s32 $0x190400, s1;
	s7 =	sadd.s32 $0x48400, s6;
	[dreg:$0x5] =	wrdreg s24  }
0x10: {  	s22 =	simm.s32 $0x1900;
	s25 =	sadd.s32 $0x49400, s6;
	[dreg:$0x6] =	wrdreg s7  }
0x11: {  	v2 =	vlaneseq.u32;
	s6 =	sadd.s32 $0x190500, s1;
	s4 =	sadd.s32 $0x190300, s1;
	[dreg:$0x7] =	wrdreg s25  }
0x12: {  	vm0 =	vmmov $0xffff;
	v1 =	vshrl.u32 v2, $0x3;
	s7 =	smax.u32 s0, $0x1;
	s25 =	simm.s32 $0x1;
	s21 =	simm.s32 $0x1100  }
0x13: {  	v0 =	vand.u32 $0x7, v2;
	v2 =	vor.u32 $0x8, v2;
	v1 =	vmul.u32 $0x8, v1;
	s23 =	simm.s32 $0x2100;
	s24 =	simm.s32 $0x2900;
	s0 =	simm.s32 $0x8100  }
.LBB2_1:
0x14: {  	s19 =	rddreg [dreg:$0x2]  }
0x15: {  	[tilespmem:s2], [sflag:$0x2] =	stream.linear.gather [hbm4b:s19+s2], $0x80, $0x38;
	[tilespmem:$0x10100] =	vst v63  }
0x16: {  	_ =	swait.ge [sflag:s8], $0x80  }
0x17: {  	s1 =	rddreg [dreg:$0x3];
	[sflag:s8] =	ssyncset.done $0x0  }
0x18: {  	s20 =	rddreg [dreg:$0x8];
	[sflag:s8] =	ssyncadd.s32 $0xFFFFFF80  }
0x19: {  	[tilespmem:s20], [sflag:$0x2] =	stream.linear.gather [hbm4b:s1+s2], $0x80, $0x38;
	[tilespmem:$0x10100] =	vst v63  }
0x1a: {  	_ =	swait.ge [sflag:s8], $0x80  }
0x1b: {  	[sflag:s8] =	ssyncset.done $0x0  }
0x1c: {  	[sflag:s8] =	ssyncadd.s32 $0xFFFFFF80  }
0x1d: {  	v3 =	vld [tilespmem:$0x0];
	_ =	sdelay $0x4  }
0x1e: {  	v4 =	vshll.u32 v3, $0x3  }
0x1f: {  	v3 =	vand.u32 $0x7, v3;
	v4 =	vand.u32 $0xFFFFFFC0, v4  }
0x20: {  	v3 =	vor.u32 v3, v4  }
0x21: {  	v4 =	vperm.xlane v3, v0;
	_ =	sdelay $0x1  }
0x22: {  	v4 =	vadd.s32 v1, v4;
	_ =	sdelay $0x4  }
0x23: {  	[tilespmem:s26], [sflag:$0x1] =	stream.indirect_vreg.gather [hbm4b:s3+s2], $0x80, v4, vm0, $0xb8;
	[tilespmem:$0x10100] =	vst v63  }
0x24: {  	s20 =	simm.s32 $0x900;
	v3 =	vperm.xlane v3, v2  }
0x25: {  	[tilespmem:s20], [sflag:$0x1] =	stream.indirect_vreg.gather [hbm4b:s4+s2], $0x80, v4, vm0, $0xb8;
	[tilespmem:$0x10100] =	vst v63  }
0x26: {  	v3 =	vadd.s32 v1, v3  }
0x27: {  	[tilespmem:s21], [sflag:$0x1] =	stream.indirect_vreg.gather [hbm4b:s5+s2], $0x80, v4, vm0, $0xb8;
	[tilespmem:$0x10100] =	vst v63  }
0x28: {  	_ = 	snop  }
0x29: {  	[tilespmem:s22], [sflag:$0x1] =	stream.indirect_vreg.gather [hbm4b:s6+s2], $0x80, v4, vm0, $0xb8;
	[tilespmem:$0x10100] =	vst v63  }
0x2a: {  	_ = 	snop  }
0x2b: {  	[tilespmem:s23], [sflag:$0x1] =	stream.indirect_vreg.gather [hbm4b:s3+s2], $0x80, v3, vm0, $0xb8;
	[tilespmem:$0x10100] =	vst v63  }
0x2c: {  	_ = 	snop  }
0x2d: {  	[tilespmem:s24], [sflag:$0x1] =	stream.indirect_vreg.gather [hbm4b:s4+s2], $0x80, v3, vm0, $0xb8;
	[tilespmem:$0x10100] =	vst v63  }
0x2e: {  	_ = 	snop  }
0x2f: {  	[tilespmem:s28], [sflag:$0x1] =	stream.indirect_vreg.gather [hbm4b:s5+s2], $0x80, v3, vm0, $0xb8;
	[tilespmem:$0x10100] =	vst v63  }
0x30: {  	_ = 	snop  }
0x31: {  	[tilespmem:s29], [sflag:$0x1] =	stream.indirect_vreg.gather [hbm4b:s6+s2], $0x80, v3, vm0, $0xb8;
	[tilespmem:$0x10100] =	vst v63  }
0x32: {  	v3 =	vld [tilespmem:$0x10];
	_ =	sdelay $0x4  }
0x33: {  	v57 =	vshll.u32 v3, $0x3  }
0x34: {  	v3 =	vand.u32 $0x7, v3;
	v4 =	vand.u32 $0xFFFFFFC0, v57  }
0x35: {  	v3 =	vor.u32 v3, v4  }
0x36: {  	v4 =	vperm.xlane v3, v0;
	_ =	sdelay $0x1  }
0x37: {  	v4 =	vadd.s32 v1, v4;
	_ =	sdelay $0x4  }
0x38: {  	[tilespmem:s30], [sflag:$0x1] =	stream.indirect_vreg.gather [hbm4b:s3+s2], $0x80, v4, vm0, $0xb8;
	[tilespmem:$0x10100] =	vst v63  }
0x39: {  	v3 =	vperm.xlane v3, v2  }
0x3a: {  	[tilespmem:s31], [sflag:$0x1] =	stream.indirect_vreg.gather [hbm4b:s4+s2], $0x80, v4, vm0, $0xb8;
	[tilespmem:$0x10100] =	vst v63  }
0x3b: {  	s1 =	simm.s32 $0x5100;
	v3 =	vadd.s32 v1, v3  }
0x3c: {  	[tilespmem:s1], [sflag:$0x1] =	stream.indirect_vreg.gather [hbm4b:s5+s2], $0x80, v4, vm0, $0xb8;
	[tilespmem:$0x10100] =	vst v63  }
0x3d: {  	_ = 	snop  }
0x3e: {  	[tilespmem:s9], [sflag:$0x1] =	stream.indirect_vreg.gather [hbm4b:s6+s2], $0x80, v4, vm0, $0xb8;
	[tilespmem:$0x10100] =	vst v63  }
0x3f: {  	_ = 	snop  }
0x40: {  	[tilespmem:s10], [sflag:$0x1] =	stream.indirect_vreg.gather [hbm4b:s3+s2], $0x80, v3, vm0, $0xb8;
	[tilespmem:$0x10100] =	vst v63  }
0x41: {  	_ = 	snop  }
0x42: {  	[tilespmem:s11], [sflag:$0x1] =	stream.indirect_vreg.gather [hbm4b:s4+s2], $0x80, v3, vm0, $0xb8;
	[tilespmem:$0x10100] =	vst v63  }
0x43: {  	_ = 	snop  }
0x44: {  	[tilespmem:s12], [sflag:$0x1] =	stream.indirect_vreg.gather [hbm4b:s5+s2], $0x80, v3, vm0, $0xb8;
	[tilespmem:$0x10100] =	vst v63  }
0x45: {  	_ = 	snop  }
0x46: {  	[tilespmem:s13], [sflag:$0x1] =	stream.indirect_vreg.gather [hbm4b:s6+s2], $0x80, v3, vm0, $0xb8;
	[tilespmem:$0x10100] =	vst v63  }
0x47: {  	_ =	swait.ge [sflag:s25], $0x8000  }
0x48: {  	[sflag:s25] =	ssyncset.done $0x0  }
0x49: {  	[sflag:s25] =	ssyncadd.s32 $0xFFFF8000  }
0x4a: {  	v3 =	vld [tilespmem:$0x20];
	_ =	sdelay $0x4  }
0x4b: {  	v58 =	vshll.u32 v3, $0x3  }
0x4c: {  	v3 =	vand.u32 $0x7, v3;
	v4 =	vand.u32 $0xFFFFFFC0, v58  }
0x4d: {  	v3 =	vor.u32 v3, v4  }
0x4e: {  	v4 =	vperm.xlane v3, v0;
	_ =	sdelay $0x1  }
0x4f: {  	v4 =	vadd.s32 v1, v4;
	_ =	sdelay $0x4  }
0x50: {  	[tilespmem:s0], [sflag:$0x1] =	stream.indirect_vreg.gather [hbm4b:s3+s2], $0x80, v4, vm0, $0xb8;
	[tilespmem:$0x10100] =	vst v63  }
0x51: {  	s14 =	simm.s32 $0x8900;
	v3 =	vperm.xlane v3, v2  }
0x52: {  	[tilespmem:s14], [sflag:$0x1] =	stream.indirect_vreg.gather [hbm4b:s4+s2], $0x80, v4, vm0, $0xb8;
	[tilespmem:$0x10100] =	vst v63  }
0x53: {  	v3 =	vadd.s32 v1, v3  }
0x54: {  	[tilespmem:s15], [sflag:$0x1] =	stream.indirect_vreg.gather [hbm4b:s5+s2], $0x80, v4, vm0, $0xb8;
	[tilespmem:$0x10100] =	vst v63  }
0x55: {  	_ = 	snop  }
0x56: {  	[tilespmem:s16], [sflag:$0x1] =	stream.indirect_vreg.gather [hbm4b:s6+s2], $0x80, v4, vm0, $0xb8;
	[tilespmem:$0x10100] =	vst v63  }
0x57: {  	_ = 	snop  }
0x58: {  	[tilespmem:s17], [sflag:$0x1] =	stream.indirect_vreg.gather [hbm4b:s3+s2], $0x80, v3, vm0, $0xb8;
	[tilespmem:$0x10100] =	vst v63  }
0x59: {  	_ = 	snop  }
0x5a: {  	[tilespmem:s18], [sflag:$0x1] =	stream.indirect_vreg.gather [hbm4b:s4+s2], $0x80, v3, vm0, $0xb8;
	[tilespmem:$0x10100] =	vst v63  }
0x5b: {  	s14 =	simm.s32 $0xB100  }
0x5c: {  	[tilespmem:s14], [sflag:$0x1] =	stream.indirect_vreg.gather [hbm4b:s5+s2], $0x80, v3, vm0, $0xb8;
	[tilespmem:$0x10100] =	vst v63  }
0x5d: {  	s14 =	simm.s32 $0xB900  }
0x5e: {  	[tilespmem:s14], [sflag:$0x1] =	stream.indirect_vreg.gather [hbm4b:s6+s2], $0x80, v3, vm0, $0xb8;
	[tilespmem:$0x10100] =	vst v63  }
0x5f: {  	v3 =	vld [tilespmem:$0x30];
	_ =	sdelay $0x4  }
0x60: {  	v59 =	vshll.u32 v3, $0x3  }
0x61: {  	v3 =	vand.u32 $0x7, v3;
	v4 =	vand.u32 $0xFFFFFFC0, v59  }
0x62: {  	v3 =	vor.u32 v3, v4  }
0x63: {  	v4 =	vperm.xlane v3, v0;
	_ =	sdelay $0x1  }
0x64: {  	v4 =	vadd.s32 v1, v4;
	_ =	sdelay $0x3  }
0x65: {  	s14 =	simm.s32 $0xC100  }
0x66: {  	[tilespmem:s14], [sflag:$0x1] =	stream.indirect_vreg.gather [hbm4b:s3+s2], $0x80, v4, vm0, $0xb8;
	[tilespmem:$0x10100] =	vst v63  }
0x67: {  	v3 =	vperm.xlane v3, v2;
	s14 =	simm.s32 $0xC900  }
0x68: {  	[tilespmem:s14], [sflag:$0x1] =	stream.indirect_vreg.gather [hbm4b:s4+s2], $0x80, v4, vm0, $0xb8;
	[tilespmem:$0x10100] =	vst v63  }
0x69: {  	v3 =	vadd.s32 v1, v3;
	s14 =	simm.s32 $0xD100  }
0x6a: {  	[tilespmem:s14], [sflag:$0x1] =	stream.indirect_vreg.gather [hbm4b:s5+s2], $0x80, v4, vm0, $0xb8;
	[tilespmem:$0x10100] =	vst v63  }
0x6b: {  	s14 =	simm.s32 $0xD900  }
0x6c: {  	[tilespmem:s14], [sflag:$0x1] =	stream.indirect_vreg.gather [hbm4b:s6+s2], $0x80, v4, vm0, $0xb8;
	[tilespmem:$0x10100] =	vst v63  }
0x6d: {  	s14 =	simm.s32 $0xE100  }
0x6e: {  	[tilespmem:s14], [sflag:$0x1] =	stream.indirect_vreg.gather [hbm4b:s3+s2], $0x80, v3, vm0, $0xb8;
	[tilespmem:$0x10100] =	vst v63  }
0x6f: {  	s14 =	simm.s32 $0xE900  }
0x70: {  	[tilespmem:s14], [sflag:$0x1] =	stream.indirect_vreg.gather [hbm4b:s4+s2], $0x80, v3, vm0, $0xb8;
	[tilespmem:$0x10100] =	vst v63  }
0x71: {  	s14 =	simm.s32 $0xF100  }
0x72: {  	[tilespmem:s14], [sflag:$0x1] =	stream.indirect_vreg.gather [hbm4b:s5+s2], $0x80, v3, vm0, $0xb8;
	[tilespmem:$0x10100] =	vst v63  }
0x73: {  	s14 =	simm.s32 $0xF900  }
0x74: {  	[tilespmem:s14], [sflag:$0x1] =	stream.indirect_vreg.gather [hbm4b:s6+s2], $0x80, v3, vm0, $0xb8;
	[tilespmem:$0x10100] =	vst v63  }
0x75: {  	s19 =	rddreg [dreg:$0x4]  }
0x76: {  	[hbm4b:s19+s2] =	stream.linear.scatter [tilespmem:s26], [sflag:$0x2], $0x8000, $0x38;
	[tilespmem:$0x10100] =	vst v63  }
0x77: {  	_ =	swait.ge [sflag:s8], $0x8000  }
0x78: {  	[sflag:s8] =	ssyncset.done $0x0  }
0x79: {  	[sflag:s8] =	ssyncadd.s32 $0xFFFF8000  }
0x7a: {  	_ =	swait.ge [sflag:s25], $0x8000  }
0x7b: {  	[sflag:s25] =	ssyncset.done $0x0  }
0x7c: {  	[sflag:s25] =	ssyncadd.s32 $0xFFFF8000  }
0x7d: {  	v3 =	vld [tilespmem:$0x80];
	_ =	sdelay $0x4  }
0x7e: {  	v60 =	vshll.u32 v3, $0x3  }
0x7f: {  	v3 =	vand.u32 $0x7, v3;
	v4 =	vand.u32 $0xFFFFFFC0, v60  }
0x80: {  	v3 =	vor.u32 v3, v4  }
0x81: {  	v4 =	vperm.xlane v3, v0;
	_ =	sdelay $0x1  }
0x82: {  	v4 =	vadd.s32 v1, v4;
	_ =	sdelay $0x4  }
0x83: {  	[tilespmem:s26], [sflag:$0x1] =	stream.indirect_vreg.gather [hbm4b:s3+s2], $0x80, v4, vm0, $0xb8;
	[tilespmem:$0x10100] =	vst v63  }
0x84: {  	v3 =	vperm.xlane v3, v2  }
0x85: {  	[tilespmem:s20], [sflag:$0x1] =	stream.indirect_vreg.gather [hbm4b:s4+s2], $0x80, v4, vm0, $0xb8;
	[tilespmem:$0x10100] =	vst v63  }
0x86: {  	v3 =	vadd.s32 v1, v3  }
0x87: {  	[tilespmem:s21], [sflag:$0x1] =	stream.indirect_vreg.gather [hbm4b:s5+s2], $0x80, v4, vm0, $0xb8;
	[tilespmem:$0x10100] =	vst v63  }
0x88: {  	_ = 	snop  }
0x89: {  	[tilespmem:s22], [sflag:$0x1] =	stream.indirect_vreg.gather [hbm4b:s6+s2], $0x80, v4, vm0, $0xb8;
	[tilespmem:$0x10100] =	vst v63  }
0x8a: {  	_ = 	snop  }
0x8b: {  	[tilespmem:s23], [sflag:$0x1] =	stream.indirect_vreg.gather [hbm4b:s3+s2], $0x80, v3, vm0, $0xb8;
	[tilespmem:$0x10100] =	vst v63  }
0x8c: {  	_ = 	snop  }
0x8d: {  	[tilespmem:s24], [sflag:$0x1] =	stream.indirect_vreg.gather [hbm4b:s4+s2], $0x80, v3, vm0, $0xb8;
	[tilespmem:$0x10100] =	vst v63  }
0x8e: {  	_ = 	snop  }
0x8f: {  	[tilespmem:s28], [sflag:$0x1] =	stream.indirect_vreg.gather [hbm4b:s5+s2], $0x80, v3, vm0, $0xb8;
	[tilespmem:$0x10100] =	vst v63  }
0x90: {  	_ = 	snop  }
0x91: {  	[tilespmem:s29], [sflag:$0x1] =	stream.indirect_vreg.gather [hbm4b:s6+s2], $0x80, v3, vm0, $0xb8;
	[tilespmem:$0x10100] =	vst v63  }
0x92: {  	v3 =	vld [tilespmem:$0x90];
	_ =	sdelay $0x4  }
0x93: {  	v61 =	vshll.u32 v3, $0x3  }
0x94: {  	v3 =	vand.u32 $0x7, v3;
	v4 =	vand.u32 $0xFFFFFFC0, v61  }
0x95: {  	v3 =	vor.u32 v3, v4  }
0x96: {  	v4 =	vperm.xlane v3, v0;
	_ =	sdelay $0x1  }
0x97: {  	v4 =	vadd.s32 v1, v4;
	_ =	sdelay $0x4  }
0x98: {  	[tilespmem:s30], [sflag:$0x1] =	stream.indirect_vreg.gather [hbm4b:s3+s2], $0x80, v4, vm0, $0xb8;
	[tilespmem:$0x10100] =	vst v63  }
0x99: {  	v3 =	vperm.xlane v3, v2  }
0x9a: {  	[tilespmem:s31], [sflag:$0x1] =	stream.indirect_vreg.gather [hbm4b:s4+s2], $0x80, v4, vm0, $0xb8;
	[tilespmem:$0x10100] =	vst v63  }
0x9b: {  	v3 =	vadd.s32 v1, v3  }
0x9c: {  	[tilespmem:s1], [sflag:$0x1] =	stream.indirect_vreg.gather [hbm4b:s5+s2], $0x80, v4, vm0, $0xb8;
	[tilespmem:$0x10100] =	vst v63  }
0x9d: {  	_ = 	snop  }
0x9e: {  	[tilespmem:s9], [sflag:$0x1] =	stream.indirect_vreg.gather [hbm4b:s6+s2], $0x80, v4, vm0, $0xb8;
	[tilespmem:$0x10100] =	vst v63  }
0x9f: {  	_ = 	snop  }
0xa0: {  	[tilespmem:s10], [sflag:$0x1] =	stream.indirect_vreg.gather [hbm4b:s3+s2], $0x80, v3, vm0, $0xb8;
	[tilespmem:$0x10100] =	vst v63  }
0xa1: {  	_ = 	snop  }
0xa2: {  	[tilespmem:s11], [sflag:$0x1] =	stream.indirect_vreg.gather [hbm4b:s4+s2], $0x80, v3, vm0, $0xb8;
	[tilespmem:$0x10100] =	vst v63  }
0xa3: {  	_ = 	snop  }
0xa4: {  	[tilespmem:s12], [sflag:$0x1] =	stream.indirect_vreg.gather [hbm4b:s5+s2], $0x80, v3, vm0, $0xb8;
	[tilespmem:$0x10100] =	vst v63  }
0xa5: {  	_ = 	snop  }
0xa6: {  	[tilespmem:s13], [sflag:$0x1] =	stream.indirect_vreg.gather [hbm4b:s6+s2], $0x80, v3, vm0, $0xb8;
	[tilespmem:$0x10100] =	vst v63  }
0xa7: {  	s1 =	rddreg [dreg:$0x5]  }
0xa8: {  	[hbm4b:s1+s2] =	stream.linear.scatter [tilespmem:s0], [sflag:$0x2], $0x8000, $0x38;
	[tilespmem:$0x10100] =	vst v63  }
0xa9: {  	_ =	swait.ge [sflag:s8], $0x8000  }
0xaa: {  	[sflag:s8] =	ssyncset.done $0x0  }
0xab: {  	[sflag:s8] =	ssyncadd.s32 $0xFFFF8000  }
0xac: {  	_ =	swait.ge [sflag:s25], $0x8000  }
0xad: {  	[sflag:s25] =	ssyncset.done $0x0  }
0xae: {  	[sflag:s25] =	ssyncadd.s32 $0xFFFF8000  }
0xaf: {  	v3 =	vld [tilespmem:$0xA0];
	_ =	sdelay $0x4  }
0xb0: {  	v62 =	vshll.u32 v3, $0x3  }
0xb1: {  	v3 =	vand.u32 $0x7, v3;
	v4 =	vand.u32 $0xFFFFFFC0, v62  }
0xb2: {  	v3 =	vor.u32 v3, v4  }
0xb3: {  	v4 =	vperm.xlane v3, v0;
	_ =	sdelay $0x1  }
0xb4: {  	v4 =	vadd.s32 v1, v4;
	_ =	sdelay $0x4  }
0xb5: {  	[tilespmem:s0], [sflag:$0x1] =	stream.indirect_vreg.gather [hbm4b:s3+s2], $0x80, v4, vm0, $0xb8;
	[tilespmem:$0x10100] =	vst v63  }
0xb6: {  	s19 =	simm.s32 $0x8900;
	v3 =	vperm.xlane v3, v2  }
0xb7: {  	[tilespmem:s19], [sflag:$0x1] =	stream.indirect_vreg.gather [hbm4b:s4+s2], $0x80, v4, vm0, $0xb8;
	[tilespmem:$0x10100] =	vst v63  }
0xb8: {  	v3 =	vadd.s32 v1, v3  }
0xb9: {  	[tilespmem:s15], [sflag:$0x1] =	stream.indirect_vreg.gather [hbm4b:s5+s2], $0x80, v4, vm0, $0xb8;
	[tilespmem:$0x10100] =	vst v63  }
0xba: {  	_ = 	snop  }
0xbb: {  	[tilespmem:s16], [sflag:$0x1] =	stream.indirect_vreg.gather [hbm4b:s6+s2], $0x80, v4, vm0, $0xb8;
	[tilespmem:$0x10100] =	vst v63  }
0xbc: {  	_ = 	snop  }
0xbd: {  	[tilespmem:s17], [sflag:$0x1] =	stream.indirect_vreg.gather [hbm4b:s3+s2], $0x80, v3, vm0, $0xb8;
	[tilespmem:$0x10100] =	vst v63  }
0xbe: {  	_ = 	snop  }
0xbf: {  	[tilespmem:s18], [sflag:$0x1] =	stream.indirect_vreg.gather [hbm4b:s4+s2], $0x80, v3, vm0, $0xb8;
	[tilespmem:$0x10100] =	vst v63  }
0xc0: {  	s20 =	simm.s32 $0xB100  }
0xc1: {  	[tilespmem:s20], [sflag:$0x1] =	stream.indirect_vreg.gather [hbm4b:s5+s2], $0x80, v3, vm0, $0xb8;
	[tilespmem:$0x10100] =	vst v63  }
0xc2: {  	s19 =	simm.s32 $0xB900  }
0xc3: {  	[tilespmem:s19], [sflag:$0x1] =	stream.indirect_vreg.gather [hbm4b:s6+s2], $0x80, v3, vm0, $0xb8;
	[tilespmem:$0x10100] =	vst v63  }
0xc4: {  	v3 =	vld [tilespmem:$0xB0];
	_ =	sdelay $0x4  }
0xc5: {  	v63 =	vshll.u32 v3, $0x3  }
0xc6: {  	v3 =	vand.u32 $0x7, v3;
	v4 =	vand.u32 $0xFFFFFFC0, v63  }
0xc7: {  	v3 =	vor.u32 v3, v4  }
0xc8: {  	v4 =	vperm.xlane v3, v0;
	_ =	sdelay $0x1  }
0xc9: {  	v4 =	vadd.s32 v1, v4;
	_ =	sdelay $0x3  }
0xca: {  	s20 =	simm.s32 $0xC100  }
0xcb: {  	[tilespmem:s20], [sflag:$0x1] =	stream.indirect_vreg.gather [hbm4b:s3+s2], $0x80, v4, vm0, $0xb8;
	[tilespmem:$0x10100] =	vst v63  }
0xcc: {  	s19 =	simm.s32 $0xC900;
	v3 =	vperm.xlane v3, v2  }
0xcd: {  	[tilespmem:s19], [sflag:$0x1] =	stream.indirect_vreg.gather [hbm4b:s4+s2], $0x80, v4, vm0, $0xb8;
	[tilespmem:$0x10100] =	vst v63  }
0xce: {  	v3 =	vadd.s32 v1, v3;
	s20 =	simm.s32 $0xD100  }
0xcf: {  	[tilespmem:s20], [sflag:$0x1] =	stream.indirect_vreg.gather [hbm4b:s5+s2], $0x80, v4, vm0, $0xb8;
	[tilespmem:$0x10100] =	vst v63  }
0xd0: {  	s19 =	simm.s32 $0xD900  }
0xd1: {  	[tilespmem:s19], [sflag:$0x1] =	stream.indirect_vreg.gather [hbm4b:s6+s2], $0x80, v4, vm0, $0xb8;
	[tilespmem:$0x10100] =	vst v63  }
0xd2: {  	s20 =	simm.s32 $0xE100  }
0xd3: {  	[tilespmem:s20], [sflag:$0x1] =	stream.indirect_vreg.gather [hbm4b:s3+s2], $0x80, v3, vm0, $0xb8;
	[tilespmem:$0x10100] =	vst v63  }
0xd4: {  	s19 =	simm.s32 $0xE900  }
0xd5: {  	[tilespmem:s19], [sflag:$0x1] =	stream.indirect_vreg.gather [hbm4b:s4+s2], $0x80, v3, vm0, $0xb8;
	[tilespmem:$0x10100] =	vst v63  }
0xd6: {  	s20 =	simm.s32 $0xF100  }
0xd7: {  	[tilespmem:s20], [sflag:$0x1] =	stream.indirect_vreg.gather [hbm4b:s5+s2], $0x80, v3, vm0, $0xb8;
	[tilespmem:$0x10100] =	vst v63  }
0xd8: {  	s14 =	simm.s32 $0xF900  }
0xd9: {  	[tilespmem:s14], [sflag:$0x1] =	stream.indirect_vreg.gather [hbm4b:s6+s2], $0x80, v3, vm0, $0xb8;
	[tilespmem:$0x10100] =	vst v63  }
0xda: {  	s1 =	rddreg [dreg:$0x6]  }
0xdb: {  	[hbm4b:s1+s2] =	stream.linear.scatter [tilespmem:s26], [sflag:$0x2], $0x8000, $0x38;
	[tilespmem:$0x10100] =	vst v63  }
0xdc: {  	_ =	swait.ge [sflag:s8], $0x8000  }
0xdd: {  	[sflag:s8] =	ssyncset.done $0x0  }
0xde: {  	[sflag:s8] =	ssyncadd.s32 $0xFFFF8000  }
0xdf: {  	_ =	swait.ge [sflag:s25], $0x8000  }
0xe0: {  	p0 =	sne.s32 s7, $0x1;
	[sflag:s25] =	ssyncset.done $0x0  }
.Ltmp0:
0xe1: {  	s20 =	rddreg [dreg:$0x7];
	[sflag:s25] =	ssyncadd.s32 $0xFFFF8000;
	(pc) =	sbr.rel @p0 .LBB2_1-.Ltmp0, $4  }
0xe2: {  	[hbm4b:s20+s2] =	stream.linear.scatter [tilespmem:s0], [sflag:$0x2], $0x8000, $0x38;
	[tilespmem:$0x10100] =	vst v63  }
0xe3: {  	_ =	swait.ge [sflag:s8], $0x8000  }
0xe4: {  	[sflag:s8] =	ssyncset.done $0x0  }
0xe5: {  	s7 =	sadd.s32 $0xFFFFFFFF, s7;
	[sflag:s8] =	ssyncadd.s32 $0xFFFF8000  }
0xe6: {  	_ =	sfence.sel $0x180000  }
0xe7: {  	[bflag:$0x0] =	sbarrier.arrive $0xFFFF  }
0xe8: {  	_ =	strace $0x9000004D  }
0xe9: {  	s0 =	stileid.u32;
	[bflag:$0x2] =	sbarrier.arrive $0xFFFF  }
0xea: {  	p0 =	sne.s32 s0, $0x0;
	s0 =	rddreg [dreg:$0x1]  }
0xeb: {  	s0 =	sadd.s32 @!p0 $0x100000, s0  }
0xec: {  	[sflag:s0] =	ssyncadd.tile.s32 @!p0 $0x1;
	_ =	shalt  }
.Lfunc_end2:
_tile_overlayer_lowered:
.L_overlay_start_2:
0xed: {  	(tag) =	ssettag $0x2  }
0xee: {  	s0 =	rddreg [dreg:$0x0];
	s2 =	stileid.u32  }
0xef: {  	s1 =	rddreg [dreg:$0x1];
	p0 =	sne.s32 s2, $0x0  }
0xf0: {  	s3 =	rddreg [dreg:$0x2];
	[bflag:$0x3] =	sbarrier.arrive $0xFFFF;
	s2 =	simm.s32 @!p0 $0x1C02  }
0xf1: {  	[timem:s3], [sflag:s2] =	dma.local @!p0 [hbm:s0], s1  }
0xf2: {  	s0 =	simm.s32 @!p0 $0x2  }
0xf3: {  	_ =	swait.ge @!p0 [sflag:s0], s1  }
0xf4: {  	s1 =	ssub.s32 @!p0 $0x0, s1;
	[sflag:s0] =	ssyncset.done @!p0 $0x0  }
0xf5: {  	[sflag:s0] =	ssyncadd.s32 @!p0 s1  }
0xf6: {  	[bflag:$0x3] =	sbarrier.arrive $0xFFFF  }
0xf7: {  	_ =	shalt  }

// kernel: kernel.7.cloned.1.call-start
scs
__scs_entry_jumppad:
0x0: {  	(pc) =	sbr.rel $0x88, $3  }
0x1: {  	(tag) =	ssettag $0x0;
	lr =	simm.s32 $0x1  }
0x2: {  	[smem:$0x3F9C] =	sst lr;
	_ =	strace $0xD0000000  }
0x3: {  	_ = 	snop  }
0x4: {  	_ = 	snop  }
0x5: {  	_ = 	snop  }
0x6: {  	_ = 	snop  }
0x7: {  	_ = 	snop  }
__scs_overlays_trampoline_lowered:
0x8: {  	[smem:$0x3FAB] =	sst s0  }
0x9: {  	[smem:$0x3FAC] =	sst s1  }
0xa: {  	[smem:$0x3FAD] =	sst s2  }
0xb: {  	[smem:$0x3FAE] =	sst s3  }
0xc: {  	[smem:$0x3FAF] =	sst s4  }
0xd: {  	[smem:$0x3FB0] =	sst s5  }
0xe: {  	[smem:$0x3FB1] =	sst s6  }
0xf: {  	[smem:$0x3FB2] =	sst s7  }
0x10: {  	[smem:$0x3FB3] =	sst s8  }
0x11: {  	[smem:$0x3FB4] =	sst s9;
	s0 =	simm.s32 @!p0 $0x0  }
0x12: {  	s1 =	sld [smem:$0x3F9A];
	s0 =	simm.s32 @p0 $0x1  }
0x13: {  	[smem:$0x3FB5] =	sst s0;
	s0 =	simm.s32 @!p1 $0x0  }
0x14: {  	s2 =	sld [smem:$0x3F99];
	s0 =	simm.s32 @p1 $0x1  }
0x15: {  	[smem:$0x3FB6] =	sst s0;
	s0 =	simm.s32 @!p2 $0x0  }
0x16: {  	s3 =	sld [smem:$0x3FDB];
	s0 =	simm.s32 @p2 $0x1  }
0x17: {  	s4 =	simm.s32 $0x1BF5;
	[smem:$0x3FB8] =	sst s0  }
0x18: {  	s0 =	sld [smem:$0x3F9B];
	_ =	swait.ge [sflag:s4], $0x0  }
0x19: {  	s7 =	sld [smem:$0x3F9C]  }
0x1a: {  	s8 =	sadd.s32 $0xFFFFE003, lr  }
0x1b: {  	s9 =	sadd.s32 $0xFFFFFEF7, lr;
	s5 =	simm.s32 $0xFFFFFFFF;
	p2 =	slt.u32 s8, $0xFFFFF086  }
0x1c: {  	p1 =	slt.u32 s9, $0xF7A;
	s5 =	simm.s32 @!p2 $0x0  }
0x1d: {  	s5 =	simm.s32 @p1 $0x1;
	p0 =	seq.s32 s7, s2  }
0x1e: {  	s7 =	smul.u32 @!p0 $0xF7A, s2;
	p2 =	seq.s32 @!p0 s5, $0x0  }
0x1f: {  	s9 =	smul.u32 $0xF7A, s1;
	s8 =	simm.s32 @!p0 $0x1BF5;
	p2 =	por !p2, p0  }
0x20: {  	[sflag:s8] =	ssyncset.s32 @!p0 $0xFFFFF086;
	s6 =	sadd.s32 @!p0 s3, s7;
	s7 =	simm.s32 @!p0 $0x108  }
0x21: {  	s3 =	sadd.s32 s3, s9;
	s6 =	sadd.s32 @!p0 $0x88, s6;
	s7 =	simm.s32 @p2 $0x1082  }
0x22: {  	[simem:s7], [sflag:s8] =	dma.local @!p0 [hbm:s6], $0xF7A  }
0x23: {  	s9 =	sor.u32 $0xD0000000, s2;
	s6 =	simm.s32 $0x108;
	_ =	swait.ge @!p0 [sflag:s8], $0x0  }
0x24: {  	s3 =	sadd.s32 $0x88, s3;
	s6 =	simm.s32 @!p1 $0x1082;
	[sflag:s4] =	ssyncset.s32 $0xFFFFF086  }
0x25: {  	[simem:s6], [sflag:s4] =	dma.local [hbm:s3], $0xF7A  }
0x26: {  	[smem:$0x3F9C] =	sst s1;
	(tag) =	ssettag s2;
	_ =	strace s9  }
0x27: {  	s1 =	sld [smem:$0x3FAC]  }
0x28: {  	s2 =	sld [smem:$0x3FAD]  }
0x29: {  	s4 =	sld [smem:$0x3FAF]  }
0x2a: {  	p0 =	seq.s32 s5, $0x0;
	s5 =	sld [smem:$0x3FB0]  }
0x2b: {  	s6 =	sld [smem:$0x3FB1]  }
0x2c: {  	s7 =	sld [smem:$0x3FB2]  }
0x2d: {  	s3 =	simm.s32 $0x108;
	s8 =	sld [smem:$0x3FB3]  }
0x2e: {  	s3 =	simm.s32 @!p0 $0x1082;
	s9 =	sld [smem:$0x3FB4]  }
0x2f: {  	lr =	sadd.s32 s0, s3;
	s0 =	sld [smem:$0x3FAB]  }
0x30: {  	s3 =	sld [smem:$0x3FAE]  }
0x31: {  	[smem:$0x3FB7] =	sst s10  }
0x32: {  	s10 =	sld [smem:$0x3FB5];
	_ =	sdelay $0x3  }
0x33: {  	p0 =	seq.s32 s10, $0x1;
	s10 =	sld [smem:$0x3FB7];
	_ =	sdelay $0x3  }
0x34: {  	[smem:$0x3FB7] =	sst s10  }
0x35: {  	s10 =	sld [smem:$0x3FB6];
	_ =	sdelay $0x3  }
0x36: {  	p1 =	seq.s32 s10, $0x1;
	s10 =	sld [smem:$0x3FB7];
	_ =	sdelay $0x3  }
0x37: {  	[smem:$0x3FB7] =	sst s10  }
0x38: {  	s10 =	sld [smem:$0x3FB8]  }
0x39: {  	_ = 	snop;
	(pc) =	sbr.ind lr, $3  }
0x3a: {  	_ = 	snop  }
0x3b: {  	_ = 	snop  }
0x3c: {  	p2 =	seq.s32 s10, $0x1;
	s10 =	sld [smem:$0x3FB7]  }
0x3d: {  	_ =	shalt  }
0x3e: {  	_ =	shalt  }
0x3f: {  	_ =	shalt  }
0x40: {  	_ =	shalt  }
0x41: {  	_ =	shalt  }
0x42: {  	_ =	shalt  }
0x43: {  	_ =	shalt  }
0x44: {  	_ =	shalt  }
0x45: {  	_ =	shalt  }
0x46: {  	_ =	shalt  }
0x47: {  	_ =	shalt  }
0x48: {  	_ =	shalt  }
0x49: {  	_ =	shalt  }
0x4a: {  	_ =	shalt  }
0x4b: {  	_ =	shalt  }
0x4c: {  	_ =	shalt  }
0x4d: {  	_ =	shalt  }
0x4e: {  	_ =	shalt  }
0x4f: {  	_ =	shalt  }
0x50: {  	_ =	shalt  }
0x51: {  	_ =	shalt  }
0x52: {  	_ =	shalt  }
0x53: {  	_ =	shalt  }
0x54: {  	_ =	shalt  }
0x55: {  	_ =	shalt  }
0x56: {  	_ =	shalt  }
0x57: {  	_ =	shalt  }
0x58: {  	_ =	shalt  }
0x59: {  	_ =	shalt  }
0x5a: {  	_ =	shalt  }
0x5b: {  	_ =	shalt  }
0x5c: {  	_ =	shalt  }
0x5d: {  	_ =	shalt  }
0x5e: {  	_ =	shalt  }
0x5f: {  	_ =	shalt  }
0x60: {  	_ =	shalt  }
0x61: {  	_ =	shalt  }
0x62: {  	_ =	shalt  }
0x63: {  	_ =	shalt  }
0x64: {  	_ =	shalt  }
0x65: {  	_ =	shalt  }
0x66: {  	_ =	shalt  }
0x67: {  	_ =	shalt  }
0x68: {  	_ =	shalt  }
0x69: {  	_ =	shalt  }
0x6a: {  	_ =	shalt  }
0x6b: {  	_ =	shalt  }
0x6c: {  	_ =	shalt  }
0x6d: {  	_ =	shalt  }
0x6e: {  	_ =	shalt  }
0x6f: {  	_ =	shalt  }
0x70: {  	_ =	shalt  }
0x71: {  	_ =	shalt  }
0x72: {  	_ =	shalt  }
0x73: {  	_ =	shalt  }
0x74: {  	_ =	shalt  }
0x75: {  	_ =	shalt  }
0x76: {  	_ =	shalt  }
0x77: {  	_ =	shalt  }
0x78: {  	_ =	shalt  }
0x79: {  	_ =	shalt  }
0x7a: {  	_ =	shalt  }
0x7b: {  	_ =	shalt  }
0x7c: {  	_ =	shalt  }
0x7d: {  	_ =	shalt  }
0x7e: {  	_ =	shalt  }
0x7f: {  	_ =	shalt  }
0x80: {  	_ =	shalt  }
0x81: {  	_ =	shalt  }
0x82: {  	_ =	shalt  }
0x83: {  	_ =	shalt  }
0x84: {  	_ =	shalt  }
0x85: {  	_ =	shalt  }
0x86: {  	_ =	shalt  }
0x87: {  	_ =	shalt  }
.Lfunc_end0:
.L_simem_size_0:
called_computation.1_lowered:
.L_overlay_start_0:
0x88: {  	s2 =	sld [smem:$0x3FD9]  }
0x89: {  	s3 =	sld [smem:$0x3FFE];
	_ =	sdelay $0x1  }
0x8a: {  	s1 =	srdreg.scid  }
0x8b: {  	s0 =	sand.u32 $0x1, s1  }
0x8c: {  	s17 =	sshll.u32 s0, $0xA;
	s2 =	sadd.s32 s3, s2  }
0x8d: {  	s2 =	sadd.s32 s2, s17  }
0x8e: {  	[smem:$0x3FC3] =	sst s2  }
0x8f: {  	_ = 	snop  }
0x90: {  	s18 =	sld [smem:$0x3FC9];
	(tm) =	ssettm $0x1  }
0x91: {  	s19 =	sld [smem:$0x3FFB];
	_ =	sdelay $0x3  }
0x92: {  	_ =	strace s19  }
0x93: {  	s2 =	sld [smem:$0x3FFC];
	_ =	sdelay $0x3  }
0x94: {  	_ =	strace s2  }
0x95: {  	s2 =	sld [smem:$0x3FFD];
	_ =	sdelay $0x3  }
0x96: {  	_ =	strace s2  }
0x97: {  	_ =	strace $0x8FFFFFFF  }
0x98: {  	s20 =	sld [smem:$0x3FDB];
	_ =	sdelay $0x1  }
0x99: {  	s4 =	simm.s32 $_scs_section_size  }
0x9a: {  	s5 =	simm.s32 $_size__tile_overlayer_lowered;
	s6 =	simm.s32 $_tile_overlayer_lowered  }
0x9b: {  	s7 =	simm.s32 $0x1BFF;
	s21 =	sshll.u32 s6, $0x1;
	s4 =	sadd.s32 s4, s20  }
0x9c: {  	s22 =	simm.s32 $0x0;
	s5 =	sshll.u32 s5, $0x1;
	s6 =	sadd.s32 s21, s4  }
0x9d: {  	[timem:s22], [sflag:s7] =	dma.local [hbm:s6], s5  }
0x9e: {  	_ =	swait.ge [sflag:s7], s5  }
0x9f: {  	s5 =	ssub.s32 $0x0, s5;
	[sflag:s7] =	ssyncset.done $0x0  }
0xa0: {  	[sflag:s7] =	ssyncadd.s32 s5;
	_ =	sdelay $0x1  }
0xa1: {  	s23 =	simm.s32 $0x1B8B  }
0xa2: {  	_ =	swait.ge [sflag:s23], $0x1  }
0xa3: {  	[sflag:s23] =	ssyncset.done $0x0  }
0xa4: {  	[sflag:s23] =	ssyncadd.s32 $0xFFFFFFFF  }
0xa5: {  	s5 =	sld [smem:$0x0]  }
0xa6: {  	s6 =	sand.u32 $0xFFFFFFFE, s1  }
0xa7: {  	p0 =	sne.s32 s1, s6  }
0xa8: {  	s6 =	sshll.u32 @p0 s6, $0xE  }
0xa9: {  	s6 =	sadd.s32 @p0 $0x11B8D, s6;
	s7 =	sshll.u32 @p0 s5, $0x11  }
0xaa: {  	s6 =	sor.u32 @p0 s7, s6  }
0xab: {  	[sflag:s6] =	ssyncadd.remote.s32 @p0 $0x1;
	_ =	sdelay $0x1  }
0xac: {  	s6 =	simm.s32 @p0 $0x1B8D  }
0xad: {  	_ =	swait.eq @p0 [sflag:s6], $0x1  }
0xae: {  	[sflag:s6] =	ssyncadd.s32 @p0 $0xFFFFFFFF  }
0xaf: {  	s7 =	sshll.u32 @!p0 s1, $0xE  }
0xb0: {  	s7 =	sor.u32 @!p0 $0x4000, s7;
	s6 =	simm.s32 @!p0 $0x1B8D  }
0xb1: {  	s5 =	sshll.u32 @!p0 s5, $0x11;
	s7 =	sadd.s32 @!p0 $0x11B8D, s7;
	_ =	swait.eq @!p0 [sflag:s6], $0x1  }
0xb2: {  	s5 =	sor.u32 @!p0 s5, s7;
	[sflag:s6] =	ssyncadd.s32 @!p0 $0xFFFFFFFF  }
0xb3: {  	s25 =	simm.s32 $0x1B8E;
	s24 =	sld [smem:$0x3FFE];
	[sflag:s5] =	ssyncadd.remote.s32 @!p0 $0x1  }
0xb4: {  	s26 =	simm.s32 $execute0_lowered;
	[smem:$0x3FD2] =	sst s25  }
0xb5: {  	s6 =	sshll.u32 s26, $0x1;
	_ =	strace $0x80000049;
	[dreg:$0x1] =	wrdreg $0xFFFFFFFF  }
0xb6: {  	s28 =	simm.s32 $_size_execute0_lowered;
	s4 =	sadd.s32 s4, s6;
	[dreg:$0x0] =	wrdreg $0x0  }
0xb7: {  	s6 =	sshll.u32 s28, $0x1;
	[dreg:$0x2] =	wrdreg s4  }
0xb8: {  	[dreg:$0x3] =	wrdreg s6  }
0xb9: {  	[dreg:$0x4] =	wrdreg $0xC0  }
0xba: {  	_ =	task [dreg:s22], $0x5FFFF  }
0xbb: {  	[dreg:$0x1] =	wrdreg $0xFFFFFFFF  }
0xbc: {  	[dreg:$0x0] =	wrdreg $0x60  }
0xbd: {  	[dreg:$0x2] =	wrdreg s18  }
0xbe: {  	[dreg:$0x3] =	wrdreg s24  }
0xbf: {  	[dreg:$0x4] =	wrdreg $0xA  }
0xc0: {  	_ =	task.clear_ibuf [dreg:s22], $0x5FFFF;
	_ =	strace $0x90000049  }
0xc1: {  	s29 =	simm.s32 $0xA;
	_ =	strace $0x8000004B  }
0xc2: {  	_ =	swait.ge [sflag:s29], $0x1  }
0xc3: {  	[sflag:s29] =	ssyncadd.s32 $0xFFFFFFFF  }
0xc4: {  	_ =	strace $0x9000004B  }
0xc5: {  	_ =	sfence  }
0xc6: {  	s30 =	sld [smem:$0x0];
	_ =	sdelay $0x2  }
0xc7: {  	s31 =	sshll.u32 s1, $0xD;
	s1 =	sshrl.u32 s1, $0x2  }
0xc8: {  	s4 =	sand.u32 $0x4000, s31;
	s1 =	sadd.s32 s1, s30  }
0xc9: {  	s0 =	sor.u32 s4, s0;
	s1 =	sshll.u32 s1, $0x11  }
0xca: {  	s0 =	sor.u32 s1, s0  }
0xcb: {  	s0 =	sadd.s32 $0x8F2B, s0  }
0xcc: {  	[sflag:s0] =	ssyncadd.remote.s32 $0x1  }
0xcd: {  	_ =	sfence.sel $0xFFFF  }
0xce: {  	[dreg:$0x0] =	wrdreg $0xFFFFFFFF;
	(pc) =	sbr.abs _section_cstart, $3  }
0xcf: {  	[dreg:$0x1] =	wrdreg $0xFFFFFFFF  }
0xd0: {  	_ =	task.clear_ibuf [dreg:s22], $0x2FFFF;
	_ =	strace $0x9FFFFFFF  }
0xd1: {  	(tm) =	ssettm $0x7FFFFFFF  }
tec
execute0_lowered:
.L_overlay_start_1:
0x0: {  	(tag) =	ssettag $0x1  }
0x1: {  	s0 =	rddreg [dreg:$0x0];
	s1 =	srdreg.scid  }
0x2: {  	s2 =	stileid.u32;
	s6 =	rddreg [dreg:$0x1];
	s26 =	simm.s32 $0x80  }
0x3: {  	s8 =	simm.s32 $0x2;
	s18 =	simm.s32 $0x100;
	s21 =	simm.s32 $0x1900  }
0x4: {  	s22 =	simm.s32 $0x2100;
	s23 =	simm.s32 $0x2900;
	s24 =	simm.s32 $0x3100  }
0x5: {  	s28 =	simm.s32 $0x4900;
	s29 =	simm.s32 $0x5100;
	s30 =	simm.s32 $0x5900  }
0x6: {  	s31 =	simm.s32 $0x6100;
	s10 =	simm.s32 $0x7900;
	s11 =	simm.s32 $0x8100  }
0x7: {  	s12 =	simm.s32 $0x8900;
	s13 =	simm.s32 $0x9100;
	s14 =	simm.s32 $0x9900  }
0x8: {  	s15 =	simm.s32 $0xA100;
	s16 =	simm.s32 $0xA900;
	s17 =	simm.s32 $0xB100  }
0x9: {  	s1 =	sand.u32 $0x1, s1;
	s3 =	sshll.u32 s2, $0x1;
	s2 =	simm.s32 $0x0  }
0xa: {  	s9 =	simm.s32 $0xB900;
	s4 =	sor.u32 s1, s3;
	[smem:$0x7FF] =	sst s2  }
0xb: {  	s1 =	ssub.s32 $0x2, s1;
	s3 =	sshll.u32 s4, $0x5;
	_ =	strace $0x8000004A  }
0xc: {  	s4 =	sshll.u32 s4, $0xD;
	s25 =	sshrl.u32 s1, $0x1;
	[dreg:$0x6] =	wrdreg s26  }
0xd: {  	s26 =	simm.s32 $0x4100;
	s5 =	sadd.s32 s3, s6;
	s0 =	sadd.s32 s0, s4  }
0xe: {  	s3 =	sadd.s32 $0x10200, s6;
	s7 =	sadd.s32 $0x8000, s5;
	[dreg:$0x5] =	wrdreg s0  }
0xf: {  	v2 =	vlaneseq.u32;
	s1 =	ssub.s32 s1, s25;
	s5 =	sadd.s32 $0x8010, s5;
	[dreg:$0x3] =	wrdreg s7  }
0x10: {  	vm0 =	vmmov $0xffff;
	v1 =	vshrl.u32 v2, $0x3;
	s4 =	sadd.s32 $0x10300, s6;
	s25 =	simm.s32 $0x3900;
	[dreg:$0x4] =	wrdreg s5  }
0x11: {  	v0 =	vand.u32 $0x7, v2;
	v2 =	vor.u32 $0x8, v2;
	v1 =	vmul.u32 $0x8, v1;
	s5 =	sadd.s32 $0x10400, s6;
	s6 =	sadd.s32 $0x10500, s6;
	s7 =	smax.u32 s1, $0x1  }
.LBB2_1:
0x12: {  	s19 =	rddreg [dreg:$0x3]  }
0x13: {  	[tilespmem:s2], [sflag:$0x2] =	stream.linear.gather [hbm4b:s19+s2], $0x80, $0x38;
	[tilespmem:$0x10100] =	vst v63  }
0x14: {  	_ =	swait.ge [sflag:s8], $0x80  }
0x15: {  	s0 =	rddreg [dreg:$0x4];
	[sflag:s8] =	ssyncset.done $0x0  }
0x16: {  	s20 =	rddreg [dreg:$0x6];
	[sflag:s8] =	ssyncadd.s32 $0xFFFFFF80  }
0x17: {  	[tilespmem:s20], [sflag:$0x2] =	stream.linear.gather [hbm4b:s0+s2], $0x80, $0x38;
	[tilespmem:$0x10100] =	vst v63  }
0x18: {  	_ =	swait.ge [sflag:s8], $0x80  }
0x19: {  	[sflag:s8] =	ssyncset.done $0x0  }
0x1a: {  	s1 =	rddreg [dreg:$0x5];
	[sflag:s8] =	ssyncadd.s32 $0xFFFFFF80  }
0x1b: {  	[tilespmem:s18], [sflag:$0x2] =	stream.linear.gather [hbm4b:s1+s2], $0x10000, $0x38;
	[tilespmem:$0x10100] =	vst v63  }
0x1c: {  	_ =	swait.ge [sflag:s8], $0x10000  }
0x1d: {  	[sflag:s8] =	ssyncset.done $0x0  }
0x1e: {  	[sflag:s8] =	ssyncadd.s32 $0xFFFF0000  }
0x1f: {  	v3 =	vld [tilespmem:$0x0];
	_ =	sdelay $0x4  }
0x20: {  	v4 =	vshll.u32 v3, $0x3  }
0x21: {  	v3 =	vand.u32 $0x7, v3;
	v4 =	vand.u32 $0xFFFFFFC0, v4  }
0x22: {  	v3 =	vor.u32 v3, v4  }
0x23: {  	v4 =	vperm.xlane v3, v0;
	_ =	sdelay $0x1  }
0x24: {  	v4 =	vadd.s32 v1, v4;
	_ =	sdelay $0x4  }
0x25: {  	[hbm4b:s3+s2] =	stream.indirect_vreg.scatter [tilespmem:s18], [sflag:$0x1], $0x80, v4, vm0, $0xb8;
	[tilespmem:$0x10100] =	vst v63  }
0x26: {  	s19 =	simm.s32 $0x900;
	v3 =	vperm.xlane v3, v2  }
0x27: {  	[hbm4b:s4+s2] =	stream.indirect_vreg.scatter [tilespmem:s19], [sflag:$0x1], $0x80, v4, vm0, $0xb8;
	[tilespmem:$0x10100] =	vst v63  }
0x28: {  	s20 =	simm.s32 $0x1100;
	v3 =	vadd.s32 v1, v3  }
0x29: {  	[hbm4b:s5+s2] =	stream.indirect_vreg.scatter [tilespmem:s20], [sflag:$0x1], $0x80, v4, vm0, $0xb8;
	[tilespmem:$0x10100] =	vst v63  }
0x2a: {  	_ = 	snop  }
0x2b: {  	[hbm4b:s6+s2] =	stream.indirect_vreg.scatter [tilespmem:s21], [sflag:$0x1], $0x80, v4, vm0, $0xb8;
	[tilespmem:$0x10100] =	vst v63  }
0x2c: {  	_ = 	snop  }
0x2d: {  	[hbm4b:s3+s2] =	stream.indirect_vreg.scatter [tilespmem:s22], [sflag:$0x1], $0x80, v3, vm0, $0xb8;
	[tilespmem:$0x10100] =	vst v63  }
0x2e: {  	_ = 	snop  }
0x2f: {  	[hbm4b:s4+s2] =	stream.indirect_vreg.scatter [tilespmem:s23], [sflag:$0x1], $0x80, v3, vm0, $0xb8;
	[tilespmem:$0x10100] =	vst v63  }
0x30: {  	_ = 	snop  }
0x31: {  	[hbm4b:s5+s2] =	stream.indirect_vreg.scatter [tilespmem:s24], [sflag:$0x1], $0x80, v3, vm0, $0xb8;
	[tilespmem:$0x10100] =	vst v63  }
0x32: {  	_ = 	snop  }
0x33: {  	[hbm4b:s6+s2] =	stream.indirect_vreg.scatter [tilespmem:s25], [sflag:$0x1], $0x80, v3, vm0, $0xb8;
	[tilespmem:$0x10100] =	vst v63  }
0x34: {  	v3 =	vld [tilespmem:$0x10];
	_ =	sdelay $0x4  }
0x35: {  	v57 =	vshll.u32 v3, $0x3  }
0x36: {  	v3 =	vand.u32 $0x7, v3;
	v4 =	vand.u32 $0xFFFFFFC0, v57  }
0x37: {  	v3 =	vor.u32 v3, v4  }
0x38: {  	v4 =	vperm.xlane v3, v0;
	_ =	sdelay $0x1  }
0x39: {  	v4 =	vadd.s32 v1, v4;
	_ =	sdelay $0x4  }
0x3a: {  	[hbm4b:s3+s2] =	stream.indirect_vreg.scatter [tilespmem:s26], [sflag:$0x1], $0x80, v4, vm0, $0xb8;
	[tilespmem:$0x10100] =	vst v63  }
0x3b: {  	v3 =	vperm.xlane v3, v2  }
0x3c: {  	[hbm4b:s4+s2] =	stream.indirect_vreg.scatter [tilespmem:s28], [sflag:$0x1], $0x80, v4, vm0, $0xb8;
	[tilespmem:$0x10100] =	vst v63  }
0x3d: {  	v3 =	vadd.s32 v1, v3  }
0x3e: {  	[hbm4b:s5+s2] =	stream.indirect_vreg.scatter [tilespmem:s29], [sflag:$0x1], $0x80, v4, vm0, $0xb8;
	[tilespmem:$0x10100] =	vst v63  }
0x3f: {  	_ = 	snop  }
0x40: {  	[hbm4b:s6+s2] =	stream.indirect_vreg.scatter [tilespmem:s30], [sflag:$0x1], $0x80, v4, vm0, $0xb8;
	[tilespmem:$0x10100] =	vst v63  }
0x41: {  	_ = 	snop  }
0x42: {  	[hbm4b:s3+s2] =	stream.indirect_vreg.scatter [tilespmem:s31], [sflag:$0x1], $0x80, v3, vm0, $0xb8;
	[tilespmem:$0x10100] =	vst v63  }
0x43: {  	s1 =	simm.s32 $0x6900  }
0x44: {  	[hbm4b:s4+s2] =	stream.indirect_vreg.scatter [tilespmem:s1], [sflag:$0x1], $0x80, v3, vm0, $0xb8;
	[tilespmem:$0x10100] =	vst v63  }
0x45: {  	s0 =	simm.s32 $0x7100  }
0x46: {  	[hbm4b:s5+s2] =	stream.indirect_vreg.scatter [tilespmem:s0], [sflag:$0x1], $0x80, v3, vm0, $0xb8;
	[tilespmem:$0x10100] =	vst v63  }
0x47: {  	_ = 	snop  }
0x48: {  	[hbm4b:s6+s2] =	stream.indirect_vreg.scatter [tilespmem:s10], [sflag:$0x1], $0x80, v3, vm0, $0xb8;
	[tilespmem:$0x10100] =	vst v63  }
0x49: {  	v3 =	vld [tilespmem:$0x20];
	_ =	sdelay $0x4  }
0x4a: {  	v58 =	vshll.u32 v3, $0x3  }
0x4b: {  	v3 =	vand.u32 $0x7, v3;
	v4 =	vand.u32 $0xFFFFFFC0, v58  }
0x4c: {  	v3 =	vor.u32 v3, v4  }
0x4d: {  	v4 =	vperm.xlane v3, v0;
	_ =	sdelay $0x1  }
0x4e: {  	v4 =	vadd.s32 v1, v4;
	_ =	sdelay $0x4  }
0x4f: {  	[hbm4b:s3+s2] =	stream.indirect_vreg.scatter [tilespmem:s11], [sflag:$0x1], $0x80, v4, vm0, $0xb8;
	[tilespmem:$0x10100] =	vst v63  }
0x50: {  	v3 =	vperm.xlane v3, v2  }
0x51: {  	[hbm4b:s4+s2] =	stream.indirect_vreg.scatter [tilespmem:s12], [sflag:$0x1], $0x80, v4, vm0, $0xb8;
	[tilespmem:$0x10100] =	vst v63  }
0x52: {  	v3 =	vadd.s32 v1, v3  }
0x53: {  	[hbm4b:s5+s2] =	stream.indirect_vreg.scatter [tilespmem:s13], [sflag:$0x1], $0x80, v4, vm0, $0xb8;
	[tilespmem:$0x10100] =	vst v63  }
0x54: {  	_ = 	snop  }
0x55: {  	[hbm4b:s6+s2] =	stream.indirect_vreg.scatter [tilespmem:s14], [sflag:$0x1], $0x80, v4, vm0, $0xb8;
	[tilespmem:$0x10100] =	vst v63  }
0x56: {  	_ = 	snop  }
0x57: {  	[hbm4b:s3+s2] =	stream.indirect_vreg.scatter [tilespmem:s15], [sflag:$0x1], $0x80, v3, vm0, $0xb8;
	[tilespmem:$0x10100] =	vst v63  }
0x58: {  	_ = 	snop  }
0x59: {  	[hbm4b:s4+s2] =	stream.indirect_vreg.scatter [tilespmem:s16], [sflag:$0x1], $0x80, v3, vm0, $0xb8;
	[tilespmem:$0x10100] =	vst v63  }
0x5a: {  	_ = 	snop  }
0x5b: {  	[hbm4b:s5+s2] =	stream.indirect_vreg.scatter [tilespmem:s17], [sflag:$0x1], $0x80, v3, vm0, $0xb8;
	[tilespmem:$0x10100] =	vst v63  }
0x5c: {  	_ = 	snop  }
0x5d: {  	[hbm4b:s6+s2] =	stream.indirect_vreg.scatter [tilespmem:s9], [sflag:$0x1], $0x80, v3, vm0, $0xb8;
	[tilespmem:$0x10100] =	vst v63  }
0x5e: {  	v3 =	vld [tilespmem:$0x30];
	_ =	sdelay $0x4  }
0x5f: {  	v59 =	vshll.u32 v3, $0x3  }
0x60: {  	v3 =	vand.u32 $0x7, v3;
	v4 =	vand.u32 $0xFFFFFFC0, v59  }
0x61: {  	v3 =	vor.u32 v3, v4  }
0x62: {  	v4 =	vperm.xlane v3, v0;
	_ =	sdelay $0x1  }
0x63: {  	v4 =	vadd.s32 v1, v4;
	_ =	sdelay $0x3  }
0x64: {  	s0 =	simm.s32 $0xC100  }
0x65: {  	[hbm4b:s3+s2] =	stream.indirect_vreg.scatter [tilespmem:s0], [sflag:$0x1], $0x80, v4, vm0, $0xb8;
	[tilespmem:$0x10100] =	vst v63  }
0x66: {  	v3 =	vperm.xlane v3, v2;
	s0 =	simm.s32 $0xC900  }
0x67: {  	[hbm4b:s4+s2] =	stream.indirect_vreg.scatter [tilespmem:s0], [sflag:$0x1], $0x80, v4, vm0, $0xb8;
	[tilespmem:$0x10100] =	vst v63  }
0x68: {  	v3 =	vadd.s32 v1, v3;
	s0 =	simm.s32 $0xD100  }
0x69: {  	[hbm4b:s5+s2] =	stream.indirect_vreg.scatter [tilespmem:s0], [sflag:$0x1], $0x80, v4, vm0, $0xb8;
	[tilespmem:$0x10100] =	vst v63  }
0x6a: {  	s0 =	simm.s32 $0xD900  }
0x6b: {  	[hbm4b:s6+s2] =	stream.indirect_vreg.scatter [tilespmem:s0], [sflag:$0x1], $0x80, v4, vm0, $0xb8;
	[tilespmem:$0x10100] =	vst v63  }
0x6c: {  	s0 =	simm.s32 $0xE100  }
0x6d: {  	[hbm4b:s3+s2] =	stream.indirect_vreg.scatter [tilespmem:s0], [sflag:$0x1], $0x80, v3, vm0, $0xb8;
	[tilespmem:$0x10100] =	vst v63  }
0x6e: {  	s0 =	simm.s32 $0xE900  }
0x6f: {  	[hbm4b:s4+s2] =	stream.indirect_vreg.scatter [tilespmem:s0], [sflag:$0x1], $0x80, v3, vm0, $0xb8;
	[tilespmem:$0x10100] =	vst v63  }
0x70: {  	s0 =	simm.s32 $0xF100  }
0x71: {  	[hbm4b:s5+s2] =	stream.indirect_vreg.scatter [tilespmem:s0], [sflag:$0x1], $0x80, v3, vm0, $0xb8;
	[tilespmem:$0x10100] =	vst v63  }
0x72: {  	s0 =	simm.s32 $0xF900  }
0x73: {  	[hbm4b:s6+s2] =	stream.indirect_vreg.scatter [tilespmem:s0], [sflag:$0x1], $0x80, v3, vm0, $0xb8;
	[tilespmem:$0x10100] =	vst v63  }
0x74: {  	v3 =	vld [tilespmem:$0x80];
	_ =	sdelay $0x4  }
0x75: {  	v60 =	vshll.u32 v3, $0x3  }
0x76: {  	v3 =	vand.u32 $0x7, v3;
	v4 =	vand.u32 $0xFFFFFFC0, v60  }
0x77: {  	v3 =	vor.u32 v3, v4  }
0x78: {  	v4 =	vperm.xlane v3, v0;
	_ =	sdelay $0x1  }
0x79: {  	v4 =	vadd.s32 v1, v4;
	_ =	sdelay $0x4  }
0x7a: {  	[hbm4b:s3+s2] =	stream.indirect_vreg.scatter [tilespmem:s18], [sflag:$0x1], $0x80, v4, vm0, $0xb8;
	[tilespmem:$0x10100] =	vst v63  }
0x7b: {  	v3 =	vperm.xlane v3, v2  }
0x7c: {  	[hbm4b:s4+s2] =	stream.indirect_vreg.scatter [tilespmem:s19], [sflag:$0x1], $0x80, v4, vm0, $0xb8;
	[tilespmem:$0x10100] =	vst v63  }
0x7d: {  	v3 =	vadd.s32 v1, v3  }
0x7e: {  	[hbm4b:s5+s2] =	stream.indirect_vreg.scatter [tilespmem:s20], [sflag:$0x1], $0x80, v4, vm0, $0xb8;
	[tilespmem:$0x10100] =	vst v63  }
0x7f: {  	_ = 	snop  }
0x80: {  	[hbm4b:s6+s2] =	stream.indirect_vreg.scatter [tilespmem:s21], [sflag:$0x1], $0x80, v4, vm0, $0xb8;
	[tilespmem:$0x10100] =	vst v63  }
0x81: {  	_ = 	snop  }
0x82: {  	[hbm4b:s3+s2] =	stream.indirect_vreg.scatter [tilespmem:s22], [sflag:$0x1], $0x80, v3, vm0, $0xb8;
	[tilespmem:$0x10100] =	vst v63  }
0x83: {  	_ = 	snop  }
0x84: {  	[hbm4b:s4+s2] =	stream.indirect_vreg.scatter [tilespmem:s23], [sflag:$0x1], $0x80, v3, vm0, $0xb8;
	[tilespmem:$0x10100] =	vst v63  }
0x85: {  	_ = 	snop  }
0x86: {  	[hbm4b:s5+s2] =	stream.indirect_vreg.scatter [tilespmem:s24], [sflag:$0x1], $0x80, v3, vm0, $0xb8;
	[tilespmem:$0x10100] =	vst v63  }
0x87: {  	_ = 	snop  }
0x88: {  	[hbm4b:s6+s2] =	stream.indirect_vreg.scatter [tilespmem:s25], [sflag:$0x1], $0x80, v3, vm0, $0xb8;
	[tilespmem:$0x10100] =	vst v63  }
0x89: {  	v3 =	vld [tilespmem:$0x90];
	_ =	sdelay $0x4  }
0x8a: {  	v61 =	vshll.u32 v3, $0x3  }
0x8b: {  	v3 =	vand.u32 $0x7, v3;
	v4 =	vand.u32 $0xFFFFFFC0, v61  }
0x8c: {  	v3 =	vor.u32 v3, v4  }
0x8d: {  	v4 =	vperm.xlane v3, v0;
	_ =	sdelay $0x1  }
0x8e: {  	v4 =	vadd.s32 v1, v4;
	_ =	sdelay $0x4  }
0x8f: {  	[hbm4b:s3+s2] =	stream.indirect_vreg.scatter [tilespmem:s26], [sflag:$0x1], $0x80, v4, vm0, $0xb8;
	[tilespmem:$0x10100] =	vst v63  }
0x90: {  	v3 =	vperm.xlane v3, v2  }
0x91: {  	[hbm4b:s4+s2] =	stream.indirect_vreg.scatter [tilespmem:s28], [sflag:$0x1], $0x80, v4, vm0, $0xb8;
	[tilespmem:$0x10100] =	vst v63  }
0x92: {  	v3 =	vadd.s32 v1, v3  }
0x93: {  	[hbm4b:s5+s2] =	stream.indirect_vreg.scatter [tilespmem:s29], [sflag:$0x1], $0x80, v4, vm0, $0xb8;
	[tilespmem:$0x10100] =	vst v63  }
0x94: {  	_ = 	snop  }
0x95: {  	[hbm4b:s6+s2] =	stream.indirect_vreg.scatter [tilespmem:s30], [sflag:$0x1], $0x80, v4, vm0, $0xb8;
	[tilespmem:$0x10100] =	vst v63  }
0x96: {  	_ = 	snop  }
0x97: {  	[hbm4b:s3+s2] =	stream.indirect_vreg.scatter [tilespmem:s31], [sflag:$0x1], $0x80, v3, vm0, $0xb8;
	[tilespmem:$0x10100] =	vst v63  }
0x98: {  	_ = 	snop  }
0x99: {  	[hbm4b:s4+s2] =	stream.indirect_vreg.scatter [tilespmem:s1], [sflag:$0x1], $0x80, v3, vm0, $0xb8;
	[tilespmem:$0x10100] =	vst v63  }
0x9a: {  	s20 =	simm.s32 $0x7100  }
0x9b: {  	[hbm4b:s5+s2] =	stream.indirect_vreg.scatter [tilespmem:s20], [sflag:$0x1], $0x80, v3, vm0, $0xb8;
	[tilespmem:$0x10100] =	vst v63  }
0x9c: {  	_ = 	snop  }
0x9d: {  	[hbm4b:s6+s2] =	stream.indirect_vreg.scatter [tilespmem:s10], [sflag:$0x1], $0x80, v3, vm0, $0xb8;
	[tilespmem:$0x10100] =	vst v63  }
0x9e: {  	v3 =	vld [tilespmem:$0xA0];
	_ =	sdelay $0x4  }
0x9f: {  	v62 =	vshll.u32 v3, $0x3  }
0xa0: {  	v3 =	vand.u32 $0x7, v3;
	v4 =	vand.u32 $0xFFFFFFC0, v62  }
0xa1: {  	v3 =	vor.u32 v3, v4  }
0xa2: {  	v4 =	vperm.xlane v3, v0;
	_ =	sdelay $0x1  }
0xa3: {  	v4 =	vadd.s32 v1, v4;
	_ =	sdelay $0x4  }
0xa4: {  	[hbm4b:s3+s2] =	stream.indirect_vreg.scatter [tilespmem:s11], [sflag:$0x1], $0x80, v4, vm0, $0xb8;
	[tilespmem:$0x10100] =	vst v63  }
0xa5: {  	v3 =	vperm.xlane v3, v2  }
0xa6: {  	[hbm4b:s4+s2] =	stream.indirect_vreg.scatter [tilespmem:s12], [sflag:$0x1], $0x80, v4, vm0, $0xb8;
	[tilespmem:$0x10100] =	vst v63  }
0xa7: {  	v3 =	vadd.s32 v1, v3  }
0xa8: {  	[hbm4b:s5+s2] =	stream.indirect_vreg.scatter [tilespmem:s13], [sflag:$0x1], $0x80, v4, vm0, $0xb8;
	[tilespmem:$0x10100] =	vst v63  }
0xa9: {  	_ = 	snop  }
0xaa: {  	[hbm4b:s6+s2] =	stream.indirect_vreg.scatter [tilespmem:s14], [sflag:$0x1], $0x80, v4, vm0, $0xb8;
	[tilespmem:$0x10100] =	vst v63  }
0xab: {  	_ = 	snop  }
0xac: {  	[hbm4b:s3+s2] =	stream.indirect_vreg.scatter [tilespmem:s15], [sflag:$0x1], $0x80, v3, vm0, $0xb8;
	[tilespmem:$0x10100] =	vst v63  }
0xad: {  	_ = 	snop  }
0xae: {  	[hbm4b:s4+s2] =	stream.indirect_vreg.scatter [tilespmem:s16], [sflag:$0x1], $0x80, v3, vm0, $0xb8;
	[tilespmem:$0x10100] =	vst v63  }
0xaf: {  	_ = 	snop  }
0xb0: {  	[hbm4b:s5+s2] =	stream.indirect_vreg.scatter [tilespmem:s17], [sflag:$0x1], $0x80, v3, vm0, $0xb8;
	[tilespmem:$0x10100] =	vst v63  }
0xb1: {  	_ = 	snop  }
0xb2: {  	[hbm4b:s6+s2] =	stream.indirect_vreg.scatter [tilespmem:s9], [sflag:$0x1], $0x80, v3, vm0, $0xb8;
	[tilespmem:$0x10100] =	vst v63  }
0xb3: {  	v3 =	vld [tilespmem:$0xB0];
	_ =	sdelay $0x4  }
0xb4: {  	v63 =	vshll.u32 v3, $0x3  }
0xb5: {  	v3 =	vand.u32 $0x7, v3;
	v4 =	vand.u32 $0xFFFFFFC0, v63  }
0xb6: {  	v3 =	vor.u32 v3, v4  }
0xb7: {  	v4 =	vperm.xlane v3, v0;
	_ =	sdelay $0x1  }
0xb8: {  	v4 =	vadd.s32 v1, v4;
	_ =	sdelay $0x3  }
0xb9: {  	s19 =	simm.s32 $0xC100  }
0xba: {  	[hbm4b:s3+s2] =	stream.indirect_vreg.scatter [tilespmem:s19], [sflag:$0x1], $0x80, v4, vm0, $0xb8;
	[tilespmem:$0x10100] =	vst v63  }
0xbb: {  	s20 =	simm.s32 $0xC900;
	v3 =	vperm.xlane v3, v2  }
0xbc: {  	[hbm4b:s4+s2] =	stream.indirect_vreg.scatter [tilespmem:s20], [sflag:$0x1], $0x80, v4, vm0, $0xb8;
	[tilespmem:$0x10100] =	vst v63  }
0xbd: {  	v3 =	vadd.s32 v1, v3;
	s19 =	simm.s32 $0xD100  }
0xbe: {  	[hbm4b:s5+s2] =	stream.indirect_vreg.scatter [tilespmem:s19], [sflag:$0x1], $0x80, v4, vm0, $0xb8;
	[tilespmem:$0x10100] =	vst v63  }
0xbf: {  	s20 =	simm.s32 $0xD900  }
0xc0: {  	[hbm4b:s6+s2] =	stream.indirect_vreg.scatter [tilespmem:s20], [sflag:$0x1], $0x80, v4, vm0, $0xb8;
	[tilespmem:$0x10100] =	vst v63  }
0xc1: {  	s19 =	simm.s32 $0xE100  }
0xc2: {  	[hbm4b:s3+s2] =	stream.indirect_vreg.scatter [tilespmem:s19], [sflag:$0x1], $0x80, v3, vm0, $0xb8;
	[tilespmem:$0x10100] =	vst v63  }
0xc3: {  	s20 =	simm.s32 $0xE900  }
0xc4: {  	[hbm4b:s4+s2] =	stream.indirect_vreg.scatter [tilespmem:s20], [sflag:$0x1], $0x80, v3, vm0, $0xb8;
	[tilespmem:$0x10100] =	vst v63  }
0xc5: {  	s19 =	simm.s32 $0xF100  }
0xc6: {  	[hbm4b:s5+s2] =	stream.indirect_vreg.scatter [tilespmem:s19], [sflag:$0x1], $0x80, v3, vm0, $0xb8;
	[tilespmem:$0x10100] =	vst v63  }
0xc7: {  	s20 =	simm.s32 $0x1  }
0xc8: {  	[hbm4b:s6+s2] =	stream.indirect_vreg.scatter [tilespmem:s0], [sflag:$0x1], $0x80, v3, vm0, $0xb8;
	[tilespmem:$0x10100] =	vst v63  }
0xc9: {  	p0 =	sne.s32 s7, $0x1;
	_ =	swait.ge [sflag:s20], $0x10000  }
.Ltmp0:
0xca: {  	[sflag:s20] =	ssyncset.done $0x0;
	(pc) =	sbr.rel @p0 .LBB2_1-.Ltmp0, $4  }
0xcb: {  	[sflag:s20] =	ssyncadd.s32 $0xFFFF0000  }
0xcc: {  	_ =	swait.ge [sflag:s20], $0x10000  }
0xcd: {  	[sflag:s20] =	ssyncset.done $0x0  }
0xce: {  	s7 =	sadd.s32 $0xFFFFFFFF, s7;
	[sflag:s20] =	ssyncadd.s32 $0xFFFF0000  }
0xcf: {  	_ =	sfence.sel $0x180000  }
0xd0: {  	[bflag:$0x0] =	sbarrier.arrive $0xFFFF  }
0xd1: {  	_ =	strace $0x9000004A  }
0xd2: {  	s0 =	stileid.u32;
	[bflag:$0x2] =	sbarrier.arrive $0xFFFF  }
0xd3: {  	p0 =	sne.s32 s0, $0x0;
	s0 =	rddreg [dreg:$0x2]  }
0xd4: {  	s0 =	sadd.s32 @!p0 $0x100000, s0  }
0xd5: {  	[sflag:s0] =	ssyncadd.tile.s32 @!p0 $0x1;
	_ =	shalt  }
.Lfunc_end2:
_tile_overlayer_lowered:
.L_overlay_start_2:
0xd6: {  	(tag) =	ssettag $0x2  }
0xd7: {  	s0 =	rddreg [dreg:$0x0];
	s2 =	stileid.u32  }
0xd8: {  	s1 =	rddreg [dreg:$0x1];
	p0 =	sne.s32 s2, $0x0  }
0xd9: {  	s3 =	rddreg [dreg:$0x2];
	[bflag:$0x3] =	sbarrier.arrive $0xFFFF;
	s2 =	simm.s32 @!p0 $0x1C02  }
0xda: {  	[timem:s3], [sflag:s2] =	dma.local @!p0 [hbm:s0], s1  }
0xdb: {  	s0 =	simm.s32 @!p0 $0x2  }
0xdc: {  	_ =	swait.ge @!p0 [sflag:s0], s1  }
0xdd: {  	s1 =	ssub.s32 @!p0 $0x0, s1;
	[sflag:s0] =	ssyncset.done @!p0 $0x0  }
0xde: {  	[sflag:s0] =	ssyncadd.s32 @!p0 s1  }
0xdf: {  	[bflag:$0x3] =	sbarrier.arrive $0xFFFF  }
0xe0: {  	_ =	shalt  }

// kernel: scatter_offload_async_start
scs
__scs_entry_jumppad:
0x0: {  	(pc) =	sbr.rel $0x88, $3  }
0x1: {  	(tag) =	ssettag $0x0;
	lr =	simm.s32 $0x1  }
0x2: {  	[smem:$0x3F9C] =	sst lr;
	_ =	strace $0xD0000000  }
0x3: {  	_ = 	snop  }
0x4: {  	_ = 	snop  }
0x5: {  	_ = 	snop  }
0x6: {  	_ = 	snop  }
0x7: {  	_ = 	snop  }
__scs_overlays_trampoline_lowered:
0x8: {  	[smem:$0x3FAB] =	sst s0  }
0x9: {  	[smem:$0x3FAC] =	sst s1  }
0xa: {  	[smem:$0x3FAD] =	sst s2  }
0xb: {  	[smem:$0x3FAE] =	sst s3  }
0xc: {  	[smem:$0x3FAF] =	sst s4  }
0xd: {  	[smem:$0x3FB0] =	sst s5  }
0xe: {  	[smem:$0x3FB1] =	sst s6  }
0xf: {  	[smem:$0x3FB2] =	sst s7  }
0x10: {  	[smem:$0x3FB3] =	sst s8  }
0x11: {  	[smem:$0x3FB4] =	sst s9;
	s0 =	simm.s32 @!p0 $0x0  }
0x12: {  	s1 =	sld [smem:$0x3F9A];
	s0 =	simm.s32 @p0 $0x1  }
0x13: {  	[smem:$0x3FB5] =	sst s0;
	s0 =	simm.s32 @!p1 $0x0  }
0x14: {  	s2 =	sld [smem:$0x3F99];
	s0 =	simm.s32 @p1 $0x1  }
0x15: {  	[smem:$0x3FB6] =	sst s0;
	s0 =	simm.s32 @!p2 $0x0  }
0x16: {  	s3 =	sld [smem:$0x3FDB];
	s0 =	simm.s32 @p2 $0x1  }
0x17: {  	s4 =	simm.s32 $0x1BF5;
	[smem:$0x3FB8] =	sst s0  }
0x18: {  	s0 =	sld [smem:$0x3F9B];
	_ =	swait.ge [sflag:s4], $0x0  }
0x19: {  	s7 =	sld [smem:$0x3F9C]  }
0x1a: {  	s8 =	sadd.s32 $0xFFFFE003, lr  }
0x1b: {  	s9 =	sadd.s32 $0xFFFFFEF7, lr;
	s5 =	simm.s32 $0xFFFFFFFF;
	p2 =	slt.u32 s8, $0xFFFFF086  }
0x1c: {  	p1 =	slt.u32 s9, $0xF7A;
	s5 =	simm.s32 @!p2 $0x0  }
0x1d: {  	s5 =	simm.s32 @p1 $0x1;
	p0 =	seq.s32 s7, s2  }
0x1e: {  	s7 =	smul.u32 @!p0 $0xF7A, s2;
	p2 =	seq.s32 @!p0 s5, $0x0  }
0x1f: {  	s9 =	smul.u32 $0xF7A, s1;
	s8 =	simm.s32 @!p0 $0x1BF5;
	p2 =	por !p2, p0  }
0x20: {  	[sflag:s8] =	ssyncset.s32 @!p0 $0xFFFFF086;
	s6 =	sadd.s32 @!p0 s3, s7;
	s7 =	simm.s32 @!p0 $0x108  }
0x21: {  	s3 =	sadd.s32 s3, s9;
	s6 =	sadd.s32 @!p0 $0x88, s6;
	s7 =	simm.s32 @p2 $0x1082  }
0x22: {  	[simem:s7], [sflag:s8] =	dma.local @!p0 [hbm:s6], $0xF7A  }
0x23: {  	s9 =	sor.u32 $0xD0000000, s2;
	s6 =	simm.s32 $0x108;
	_ =	swait.ge @!p0 [sflag:s8], $0x0  }
0x24: {  	s3 =	sadd.s32 $0x88, s3;
	s6 =	simm.s32 @!p1 $0x1082;
	[sflag:s4] =	ssyncset.s32 $0xFFFFF086  }
0x25: {  	[simem:s6], [sflag:s4] =	dma.local [hbm:s3], $0xF7A  }
0x26: {  	[smem:$0x3F9C] =	sst s1;
	(tag) =	ssettag s2;
	_ =	strace s9  }
0x27: {  	s1 =	sld [smem:$0x3FAC]  }
0x28: {  	s2 =	sld [smem:$0x3FAD]  }
0x29: {  	s4 =	sld [smem:$0x3FAF]  }
0x2a: {  	p0 =	seq.s32 s5, $0x0;
	s5 =	sld [smem:$0x3FB0]  }
0x2b: {  	s6 =	sld [smem:$0x3FB1]  }
0x2c: {  	s7 =	sld [smem:$0x3FB2]  }
0x2d: {  	s3 =	simm.s32 $0x108;
	s8 =	sld [smem:$0x3FB3]  }
0x2e: {  	s3 =	simm.s32 @!p0 $0x1082;
	s9 =	sld [smem:$0x3FB4]  }
0x2f: {  	lr =	sadd.s32 s0, s3;
	s0 =	sld [smem:$0x3FAB]  }
0x30: {  	s3 =	sld [smem:$0x3FAE]  }
0x31: {  	[smem:$0x3FB7] =	sst s10  }
0x32: {  	s10 =	sld [smem:$0x3FB5];
	_ =	sdelay $0x3  }
0x33: {  	p0 =	seq.s32 s10, $0x1;
	s10 =	sld [smem:$0x3FB7];
	_ =	sdelay $0x3  }
0x34: {  	[smem:$0x3FB7] =	sst s10  }
0x35: {  	s10 =	sld [smem:$0x3FB6];
	_ =	sdelay $0x3  }
0x36: {  	p1 =	seq.s32 s10, $0x1;
	s10 =	sld [smem:$0x3FB7];
	_ =	sdelay $0x3  }
0x37: {  	[smem:$0x3FB7] =	sst s10  }
0x38: {  	s10 =	sld [smem:$0x3FB8]  }
0x39: {  	_ = 	snop;
	(pc) =	sbr.ind lr, $3  }
0x3a: {  	_ = 	snop  }
0x3b: {  	_ = 	snop  }
0x3c: {  	p2 =	seq.s32 s10, $0x1;
	s10 =	sld [smem:$0x3FB7]  }
0x3d: {  	_ =	shalt  }
0x3e: {  	_ =	shalt  }
0x3f: {  	_ =	shalt  }
0x40: {  	_ =	shalt  }
0x41: {  	_ =	shalt  }
0x42: {  	_ =	shalt  }
0x43: {  	_ =	shalt  }
0x44: {  	_ =	shalt  }
0x45: {  	_ =	shalt  }
0x46: {  	_ =	shalt  }
0x47: {  	_ =	shalt  }
0x48: {  	_ =	shalt  }
0x49: {  	_ =	shalt  }
0x4a: {  	_ =	shalt  }
0x4b: {  	_ =	shalt  }
0x4c: {  	_ =	shalt  }
0x4d: {  	_ =	shalt  }
0x4e: {  	_ =	shalt  }
0x4f: {  	_ =	shalt  }
0x50: {  	_ =	shalt  }
0x51: {  	_ =	shalt  }
0x52: {  	_ =	shalt  }
0x53: {  	_ =	shalt  }
0x54: {  	_ =	shalt  }
0x55: {  	_ =	shalt  }
0x56: {  	_ =	shalt  }
0x57: {  	_ =	shalt  }
0x58: {  	_ =	shalt  }
0x59: {  	_ =	shalt  }
0x5a: {  	_ =	shalt  }
0x5b: {  	_ =	shalt  }
0x5c: {  	_ =	shalt  }
0x5d: {  	_ =	shalt  }
0x5e: {  	_ =	shalt  }
0x5f: {  	_ =	shalt  }
0x60: {  	_ =	shalt  }
0x61: {  	_ =	shalt  }
0x62: {  	_ =	shalt  }
0x63: {  	_ =	shalt  }
0x64: {  	_ =	shalt  }
0x65: {  	_ =	shalt  }
0x66: {  	_ =	shalt  }
0x67: {  	_ =	shalt  }
0x68: {  	_ =	shalt  }
0x69: {  	_ =	shalt  }
0x6a: {  	_ =	shalt  }
0x6b: {  	_ =	shalt  }
0x6c: {  	_ =	shalt  }
0x6d: {  	_ =	shalt  }
0x6e: {  	_ =	shalt  }
0x6f: {  	_ =	shalt  }
0x70: {  	_ =	shalt  }
0x71: {  	_ =	shalt  }
0x72: {  	_ =	shalt  }
0x73: {  	_ =	shalt  }
0x74: {  	_ =	shalt  }
0x75: {  	_ =	shalt  }
0x76: {  	_ =	shalt  }
0x77: {  	_ =	shalt  }
0x78: {  	_ =	shalt  }
0x79: {  	_ =	shalt  }
0x7a: {  	_ =	shalt  }
0x7b: {  	_ =	shalt  }
0x7c: {  	_ =	shalt  }
0x7d: {  	_ =	shalt  }
0x7e: {  	_ =	shalt  }
0x7f: {  	_ =	shalt  }
0x80: {  	_ =	shalt  }
0x81: {  	_ =	shalt  }
0x82: {  	_ =	shalt  }
0x83: {  	_ =	shalt  }
0x84: {  	_ =	shalt  }
0x85: {  	_ =	shalt  }
0x86: {  	_ =	shalt  }
0x87: {  	_ =	shalt  }
.Lfunc_end0:
.L_simem_size_0:
called_computation_lowered:
.L_overlay_start_0:
0x88: {  	s0 =	sld [smem:$0x3FD9]  }
0x89: {  	s1 =	sld [smem:$0x3FFE];
	_ =	sdelay $0x3  }
0x8a: {  	s0 =	sadd.s32 s1, s0  }
0x8b: {  	[smem:$0x3FC3] =	sst s0  }
0x8c: {  	_ = 	snop  }
0x8d: {  	s0 =	sld [smem:$0x3FD0];
	_ =	sdelay $0x2  }
0x8e: {  	s13 =	simm.s32 $0xB;
	s2 =	simm.s32 $0x10  }
0x8f: {  	[smem:s2], [sflag:s13] =	dma.local [hbm:s0], $0x1  }
0x90: {  	_ =	swait.eq [sflag:s13], $0x1  }
0x91: {  	[sflag:s13] =	ssyncset.done $0x0  }
0x92: {  	[sflag:s13] =	ssyncadd.s32 $0xFFFFFFFF  }
0x93: {  	s14 =	sld [smem:$0x11];
	(tm) =	ssettm $0x1  }
0x94: {  	s15 =	sld [smem:$0x3FFB];
	_ =	sdelay $0x3  }
0x95: {  	_ =	strace s15  }
0x96: {  	s1 =	sld [smem:$0x3FFC];
	_ =	sdelay $0x3  }
0x97: {  	_ =	strace s1  }
0x98: {  	s1 =	sld [smem:$0x3FFD];
	_ =	sdelay $0x3  }
0x99: {  	_ =	strace s1  }
0x9a: {  	_ =	strace $0x8FFFFFFF  }
0x9b: {  	s16 =	sld [smem:$0x3FDB];
	_ =	sdelay $0x1  }
0x9c: {  	s17 =	simm.s32 $_scs_section_size  }
0x9d: {  	s3 =	simm.s32 $_size__tile_overlayer_lowered;
	s4 =	simm.s32 $_tile_overlayer_lowered  }
0x9e: {  	s20 =	simm.s32 $0x1BFF;
	s19 =	sshll.u32 s4, $0x1;
	s1 =	sadd.s32 s17, s16  }
0x9f: {  	s5 =	simm.s32 $0x0;
	s18 =	sshll.u32 s3, $0x1;
	s3 =	sadd.s32 s19, s1  }
0xa0: {  	[timem:s5], [sflag:s20] =	dma.local [hbm:s3], s18  }
0xa1: {  	_ =	swait.ge [sflag:s20], s18  }
0xa2: {  	s2 =	ssub.s32 $0x0, s18;
	[sflag:s20] =	ssyncset.done $0x0  }
0xa3: {  	[sflag:s20] =	ssyncadd.s32 s2;
	_ =	sdelay $0x1  }
0xa4: {  	s21 =	simm.s32 $0x1B8B  }
0xa5: {  	_ =	swait.ge [sflag:s21], $0x1  }
0xa6: {  	[sflag:s21] =	ssyncset.done $0x0  }
0xa7: {  	s23 =	simm.s32 $0x1B8E;
	s22 =	sld [smem:$0x3FFE];
	[sflag:s21] =	ssyncadd.s32 $0xFFFFFFFF  }
0xa8: {  	s24 =	simm.s32 $execute0_lowered;
	[smem:$0x3FD2] =	sst s23  }
0xa9: {  	s3 =	sshll.u32 s24, $0x1;
	_ =	strace $0x80000046;
	[dreg:$0x1] =	wrdreg $0xFFFFFFFF  }
0xaa: {  	s25 =	simm.s32 $_size_execute0_lowered;
	s1 =	sadd.s32 s1, s3;
	[dreg:$0x0] =	wrdreg $0x0  }
0xab: {  	s3 =	sshll.u32 s25, $0x1;
	[dreg:$0x2] =	wrdreg s1  }
0xac: {  	[dreg:$0x3] =	wrdreg s3  }
0xad: {  	[dreg:$0x4] =	wrdreg $0xC0  }
0xae: {  	_ =	task [dreg:s5], $0x5FFFF  }
0xaf: {  	[dreg:$0x1] =	wrdreg $0xFFFFFFFF  }
0xb0: {  	[dreg:$0x0] =	wrdreg $0x60  }
0xb1: {  	[dreg:$0x2] =	wrdreg s14  }
0xb2: {  	[dreg:$0x3] =	wrdreg s22  }
0xb3: {  	[dreg:$0x4] =	wrdreg $0x9  }
0xb4: {  	_ =	task.clear_ibuf [dreg:s5], $0x5FFFF;
	_ =	strace $0x90000046  }
0xb5: {  	s26 =	simm.s32 $0x9;
	_ =	strace $0x80000048  }
0xb6: {  	_ =	swait.ge [sflag:s26], $0x1  }
0xb7: {  	[sflag:s26] =	ssyncadd.s32 $0xFFFFFFFF  }
0xb8: {  	_ =	strace $0x90000048  }
0xb9: {  	_ =	sfence  }
0xba: {  	s28 =	sld [smem:$0x0];
	_ =	sdelay $0x1  }
0xbb: {  	s29 =	srdreg.scid  }
0xbc: {  	s30 =	sshll.u32 s29, $0xD;
	s31 =	sshrl.u32 s29, $0x2  }
0xbd: {  	s2 =	sand.u32 $0x4000, s30;
	s1 =	sand.u32 $0x1, s29;
	s0 =	sadd.s32 s31, s28  }
0xbe: {  	s1 =	sor.u32 s2, s1;
	s0 =	sshll.u32 s0, $0x11  }
0xbf: {  	s0 =	sor.u32 s0, s1  }
0xc0: {  	s0 =	sadd.s32 $0x8F2B, s0  }
0xc1: {  	[sflag:s0] =	ssyncadd.remote.s32 $0x1  }
0xc2: {  	_ =	sfence.sel $0xFFFF  }
0xc3: {  	[dreg:$0x0] =	wrdreg $0xFFFFFFFF;
	(pc) =	sbr.abs _section_cstart, $3  }
0xc4: {  	[dreg:$0x1] =	wrdreg $0xFFFFFFFF  }
0xc5: {  	_ =	task.clear_ibuf [dreg:s5], $0x2FFFF;
	_ =	strace $0x9FFFFFFF  }
0xc6: {  	(tm) =	ssettm $0x7FFFFFFF  }
0xc7: {  	_ =	shalt  }
tec
execute0_lowered:
.L_overlay_start_1:
0x0: {  	(tag) =	ssettag $0x1  }
0x1: {  	s1 =	rddreg [dreg:$0x0]  }
0x2: {  	s4 =	rddreg [dreg:$0x1]  }
0x3: {  	s0 =	rddreg [dreg:$0x2];
	s3 =	stileid.u32  }
0x4: {  	_ =	strace $0x80000047;
	s6 =	simm.s32 $0x3E;
	p0 =	sne.s32 s3, $0x0  }
0x5: {  	[sflag:s6] =	ssyncpa.u1 $0x0;
	s31 =	smin.u32 s3, $0x4;
	p1 =	slt.u32 s3, $0x4  }
0x6: {  	s3 =	simm.s32 $0x10;
	s5 =	simm.s32 @!p0 $0x1C3E;
	s2 =	simm.s32 @!p0 $0x0  }
0x7: {  	[spmem:s2], [sflag:s5] =	dma.local @!p0 [hbm:s1], $0x10  }
0x8: {  	s3 =	simm.s32 @!p1 $0x0;
	s5 =	sshll.u32 s31, $0x4  }
0x9: {  	s3 =	sadd.s32 s3, s5  }
0xa: {  	s9 =	smin.u32 s3, $0x40  }
0xb: {  	s8 =	ssub.s32 s9, s5  }
0xc: {  	p1 =	sgt.s32 s8, $0x0  }
0xd: {  	s7 =	simm.s32 @!p0 $0x3E;
	s8 =	simm.s32 @!p1 $0x0  }
0xe: {  	_ =	swait.ge @!p0 [sflag:s7], $0x10;
	s10 =	sshrl.u32 s8, $0x4  }
0xf: {  	[sflag:s7] =	ssyncset.done @!p0 $0x0;
	s11 =	sadd.s32 $0x1, s10  }
0x10: {  	p3 =	por $0x0, $0x0;
	[sflag:s7] =	ssyncadd.s32 @!p0 $0xFFFFFFF0;
	p1 =	sne.s32 s11, $0x1  }
.Ltmp0:
0x11: {  	s3 =	simm.s32 $0x1;
	[bflag:$0x0] =	sbarrier.arrive $0xFFFF;
	(pc) =	sbr.rel @!p1 .LBB2_1-.Ltmp0, $4  }
0x12: {  	s7 =	sadd.s32 $0x10000, s4;
	[sflag:s6] =	ssyncpa.u1 $0x1;
	s6 =	sadd.s32 $0x8400, s4  }
0x13: {  	s4 =	simm.s32 $0x2;
	s8 =	simm.s32 $0x0;
	p2 =	sle.u32 s10, $0x0  }
0x14: {  	[sflag:s3] =	ssyncpa.u1 $0x0;
	(ifvalue) =	ssetifvalue $0x80;
	s12 =	sxor.u32 @!p2 $0xFFFFFFFF, s8  }
0x15: {  	[sflag:s4] =	ssyncpa.u1 $0x0;
	s15 =	sshrl.u32 @!p2 s5, $0x3;
	s16 =	sand.u32 @!p2 $0x10, s12  }
0x16: {  	s12 =	sadd.s32 @!p2 s7, s15  }
0x17: {  	s13 =	sor.u32 @!p2 $0x8, s16;
	s14 =	sand.u32 @!p2 $0x7, s5;
	p1 =	por $0x1, $0x1  }
0x18: {  	[tilespmem:s13], [sflag:$0x2] =	stream.linear.gather @!p2 [hbm4b:s12+s14], $0x10, $0x38;
	[tilespmem:$0x48] =	vst v63  }
0x19: {  	s15 =	sadd.s32 @!p2 s6, s15;
	s12 =	sor.u32 @!p2 $0x28, s16;
	s13 =	simm.s32 @!p1 $0x2  }
0x1a: {  	[tilespmem:s12], [sflag:$0x2] =	stream.linear.gather @!p2 [hbm4b:s15+s14], $0x10, $0x38;
	[tilespmem:$0x48] =	vst v63  }
0x1b: {  	_ =	swait.ge @!p1 [sflag:s13], $0x20  }
0x1c: {  	s8 =	sand.u32 @!p1 $0x10, s8;
	[sflag:s13] =	ssyncset.done @!p1 $0x0  }
0x1d: {  	s12 =	sor.u32 @!p1 $0x8, s8;
	[sflag:s13] =	ssyncadd.s32 @!p1 $0xFFFFFFE0  }
0x1e: {  	v0 =	vld.msk @!p1 [tilespmem:s12+$0x0 ss:$0x1], $0xffff;
	_ =	sdelay $0x3  }
0x1f: {  	p4 =	sne.s32 s11, $0x2  }
.Ltmp1:
0x20: {  	s18 =	simm.s32 @!p1 $0x0;
	s17 =	simm.s32 @!p1 $0x1;
	v0 =	vmin.u32 @!p1 v0, $0x80;
	(pc) =	sbr.rel @!p4 .LBB2_3-.Ltmp1, $4  }
0x21: {  	s15 =	sadd.s32 $0x10, s5;
	p2 =	sle.u32 s10, $0x1;
	s14 =	smov.u32 s5  }
0x22: {  	p3 =	slt.s32 s15, s9;
	s13 =	sor.u32 @!p1 $0x28, s8;
	s8 =	simm.s32 $0x10  }
0x23: {  	s14 =	smov.u32 @p3 s15;
	p3 =	por $0x1, $0x1;
	s16 =	sxor.u32 @!p2 $0xFFFFFFFF, s8  }
0x24: {  	vm0 =	vmmov @!p1 $0xffff;
	s15 =	sshrl.u32 @!p2 s14, $0x3;
	s12 =	simm.s32 $0x2;
	s16 =	sand.u32 @!p2 $0x10, s16  }
.LBB2_4:
0x25: {  	[spmem:s18] =	stream.indirect_vreg.scatter.add.s32 @!p1 [tilespmem:s13], [sflag:$0x1], $0x1, v0, vm0, $0x4038;
	[tilespmem:$0x48] =	vst v63  }
0x26: {  	s13 =	sadd.s32 @!p2 s7, s15;
	s18 =	sor.u32 @!p2 $0x8, s16;
	_ =	swait.ge @!p1 [sflag:s17], $0x10  }
0x27: {  	s19 =	smov.u32 s12;
	s12 =	sadd.s32 $0x1, s12;
	[sflag:s17] =	ssyncset.done @!p1 $0x0  }
0x28: {  	s20 =	sand.u32 @!p2 $0x7, s14;
	[sflag:s17] =	ssyncadd.s32 @!p1 $0xFFFFFFF0;
	p1 =	seq.s32 s8, $0x0  }
0x29: {  	[tilespmem:s18], [sflag:$0x2] =	stream.linear.gather @!p2 [hbm4b:s13+s20], $0x10, $0x38;
	[tilespmem:$0x48] =	vst v63  }
0x2a: {  	s16 =	sor.u32 @!p2 $0x28, s16;
	s17 =	simm.s32 @!p1 $0x2;
	s13 =	sand.u32 @!p1 $0x10, s8  }
0x2b: {  	s15 =	sadd.s32 @!p2 s6, s15;
	s18 =	sor.u32 @!p1 $0x8, s13;
	s13 =	sor.u32 @!p1 $0x28, s13  }
0x2c: {  	[tilespmem:s16], [sflag:$0x2] =	stream.linear.gather @!p2 [hbm4b:s15+s20], $0x10, $0x38;
	[tilespmem:$0x48] =	vst v63  }
0x2d: {  	p4 =	sne.s32 s11, s12;
	_ =	swait.ge @!p1 [sflag:s17], $0x20  }
0x2e: {  	[sflag:s17] =	ssyncset.done @!p1 $0x0  }
0x2f: {  	[sflag:s17] =	ssyncadd.s32 @!p1 $0xFFFFFFE0  }
0x30: {  	v0 =	vld.msk @!p1 [tilespmem:s18+$0x0 ss:$0x1], $0xffff;
	_ =	sdelay $0x5  }
.Ltmp2:
0x31: {  	s8 =	sadd.s32 $0x10, s8;
	v0 =	vmin.u32 @!p1 v0, $0x80;
	(pc) =	sbr.rel @p4 .LBB2_4-.Ltmp2, $4  }
0x32: {  	vm0 =	vmmov @!p1 $0xffff;
	s15 =	sadd.s32 $0x10, s14;
	p2 =	sge.u32 s19, s10;
	s18 =	simm.s32 @!p1 $0x0  }
0x33: {  	s14 =	smov.u32 s5;
	p5 =	slt.s32 s15, s9;
	s17 =	simm.s32 @!p1 $0x1  }
0x34: {  	s16 =	sxor.u32 @!p2 $0xFFFFFFFF, s8;
	s14 =	smov.u32 @p5 s15  }
0x35: {  	s16 =	sand.u32 @!p2 $0x10, s16;
	s15 =	sshrl.u32 @!p2 s14, $0x3  }
0x36: {  	s5 =	smov.u32 s14  }
.LBB2_6:
0x37: {  	_ =	sdelay $0x2  }
0x38: {  	p3 =	por p1, !p3  }
0x39: {  	[spmem:s18] =	stream.indirect_vreg.scatter.add.s32 @!p3 [tilespmem:s13], [sflag:$0x1], $0x1, v0, vm0, $0x4038;
	[tilespmem:$0x48] =	vst v63  }
0x3a: {  	_ =	swait.ge @!p3 [sflag:s17], $0x10  }
0x3b: {  	s7 =	sadd.s32 @!p2 s7, s15;
	s9 =	sor.u32 @!p2 $0x8, s16;
	[sflag:s17] =	ssyncset.done @!p3 $0x0  }
0x3c: {  	s5 =	sand.u32 @!p2 $0x7, s5;
	p1 =	seq.s32 s8, $0x0;
	[sflag:s17] =	ssyncadd.s32 @!p3 $0xFFFFFFF0  }
0x3d: {  	[tilespmem:s9], [sflag:$0x2] =	stream.linear.gather @!p2 [hbm4b:s7+s5], $0x10, $0x38;
	[tilespmem:$0x48] =	vst v63  }
0x3e: {  	s6 =	sadd.s32 @!p2 s6, s15;
	s7 =	sor.u32 @!p2 $0x28, s16;
	s9 =	simm.s32 @!p1 $0x2  }
0x3f: {  	[tilespmem:s7], [sflag:$0x2] =	stream.linear.gather @!p2 [hbm4b:s6+s5], $0x10, $0x38;
	[tilespmem:$0x48] =	vst v63  }
0x40: {  	_ =	swait.ge @!p1 [sflag:s9], $0x20  }
0x41: {  	s5 =	sand.u32 @!p1 $0x10, s8;
	[sflag:s9] =	ssyncset.done @!p1 $0x0  }
0x42: {  	s6 =	sor.u32 @!p1 $0x8, s5;
	[sflag:s9] =	ssyncadd.s32 @!p1 $0xFFFFFFE0  }
0x43: {  	v0 =	vld.msk @!p1 [tilespmem:s6+$0x0 ss:$0x1], $0xffff;
	_ =	sdelay $0x4  }
0x44: {  	v0 =	vmin.u32 @!p1 v0, $0x80;
	_ =	sdelay $0x3  }
0x45: {  	vm0 =	vmmov @!p1 $0xffff;
	s7 =	simm.s32 @!p1 $0x1;
	s5 =	sor.u32 @!p1 $0x28, s5;
	s6 =	simm.s32 @!p1 $0x0  }
0x46: {  	[spmem:s6] =	stream.indirect_vreg.scatter.add.s32 @!p1 [tilespmem:s5], [sflag:$0x1], $0x1, v0, vm0, $0x4038;
	[tilespmem:$0x48] =	vst v63  }
0x47: {  	_ =	swait.ge @!p1 [sflag:s7], $0x10  }
0x48: {  	[sflag:s7] =	ssyncset.done @!p1 $0x0  }
0x49: {  	[sflag:s7] =	ssyncadd.s32 @!p1 $0xFFFFFFF0  }
0x4a: {  	_ =	sfence.sel $0x180000  }
0x4b: {  	[bflag:$0x0] =	sbarrier.arrive $0xFFFF  }
0x4c: {  	[sflag:s4] =	ssyncpa.u1 $0x1  }
0x4d: {  	[sflag:s3] =	ssyncpa.u1 $0x1  }
0x4e: {  	_ =	sfence.stream.spmem  }
0x4f: {  	s31 =	simm.s32 $0x3D;
	[bflag:$0x0] =	sbarrier.arrive $0xFFFF  }
0x50: {  	s3 =	simm.s32 @p0 $0x3D;
	[sflag:s31] =	ssyncpa.u1 $0x0  }
0x51: {  	[sflag:s3] =	ssyncpa.u1 @p0 $0x1  }
0x52: {  	[bflag:$0x0] =	sbarrier.arrive @p0 $0xFFFF  }
0x53: {  	_ =	strace @p0 $0x90000047  }
0x54: {  	s3 =	simm.s32 @!p0 $0x1C3D;
	[bflag:$0x2] =	sbarrier.arrive @p0 $0xFFFF  }
0x55: {  	[hbm:s1], [sflag:s3] =	dma.local @!p0 [spmem:s2], $0x10  }
0x56: {  	s1 =	simm.s32 @!p0 $0x3D  }
0x57: {  	_ =	swait.ge @!p0 [sflag:s1], $0x10  }
0x58: {  	[sflag:s1] =	ssyncset.done @!p0 $0x0  }
0x59: {  	[sflag:s1] =	ssyncadd.s32 @!p0 $0xFFFFFFF0  }
0x5a: {  	[sflag:s1] =	ssyncpa.u1 @!p0 $0x1  }
0x5b: {  	[bflag:$0x0] =	sbarrier.arrive @!p0 $0xFFFF  }
0x5c: {  	_ =	strace @!p0 $0x90000047  }
0x5d: {  	s0 =	sadd.s32 @!p0 $0x100000, s0;
	[bflag:$0x2] =	sbarrier.arrive @!p0 $0xFFFF  }
0x5e: {  	[sflag:s0] =	ssyncadd.tile.s32 @!p0 $0x1;
	_ =	shalt  }
.LBB2_1:
.Ltmp3:
0x5f: {  	(pc) =	sbr.rel .LBB2_6-.Ltmp3, $2  }
0x60: {  	_ =	sdelay $0x2  }
0x61: {  	_ = 	snop  }
.LBB2_3:
.Ltmp4:
0x62: {  	(pc) =	sbr.rel .LBB2_6-.Ltmp4, $2  }
0x63: {  	_ =	sdelay $0x2  }
0x64: {  	s5 =	smov.u32 s14  }
.Lfunc_end2:
_tile_overlayer_lowered:
.L_overlay_start_2:
0x65: {  	(tag) =	ssettag $0x2  }
0x66: {  	s0 =	rddreg [dreg:$0x0];
	s2 =	stileid.u32  }
0x67: {  	s1 =	rddreg [dreg:$0x1];
	p0 =	sne.s32 s2, $0x0  }
0x68: {  	s3 =	rddreg [dreg:$0x2];
	[bflag:$0x3] =	sbarrier.arrive $0xFFFF;
	s2 =	simm.s32 @!p0 $0x1C01  }
0x69: {  	[timem:s3], [sflag:s2] =	dma.local @!p0 [hbm:s0], s1  }
0x6a: {  	s0 =	simm.s32 @!p0 $0x1  }
0x6b: {  	_ =	swait.ge @!p0 [sflag:s0], s1  }
0x6c: {  	s1 =	ssub.s32 @!p0 $0x0, s1;
	[sflag:s0] =	ssyncset.done @!p0 $0x0  }
0x6d: {  	[sflag:s0] =	ssyncadd.s32 @!p0 s1  }
0x6e: {  	[bflag:$0x3] =	sbarrier.arrive $0xFFFF  }
0x6f: {  	_ =	shalt  }

</sc_bundles>
